<compile_context>
chip_gen: v7x
topology: tpu7x:2x2x1
jax: 0.10.2.dev20260603
libtpu: 0.0.44.dev20260713+nightly
codegen_flags: <defaults>
</compile_context>

<pallas_src>
import functools

import jax
import jax.numpy as jnp
import numpy as np
from jax import lax
from jax.experimental import pallas as pl
from jax.experimental.pallas import tpu as pltpu
from jax.experimental.pallas import tpu_sc as plsc

B, L, M, F, C, H, QK, VD = 2, 384, 32, 128, 64, 12, 16, 16
N = B * L * M
NC, NS = 2, 16
NW = NC * NS
PER_W = N // NW
CHUNK = 128
NCH = PER_W // CHUNK

TQ = 64
TR = TQ * M
GRID = (B * L) // TQ


def _sc_gather_body(x_hbm, z_hbm, p_hbm, ix_hbm, iz_hbm,
                    xk_out, zz_out, pk_out,
                    ixv, izv, xbuf, zbuf, ptab, pkbuf, sx, sz):
    wid = lax.axis_index("s") * NC + lax.axis_index("c")
    base = wid * PER_W
    ia = pltpu.async_copy(ix_hbm.at[pl.ds(base, PER_W)], ixv, sx.at[0])
    ib = pltpu.async_copy(iz_hbm.at[pl.ds(base, PER_W)], izv, sz.at[0])
    pltpu.sync_copy(p_hbm, ptab)
    ia.wait()
    ib.wait()

    def issue(ci, slot):
        a = pltpu.async_copy(
            x_hbm.at[ixv.at[pl.ds(ci * CHUNK, CHUNK)]], xbuf.at[slot], sx.at[slot])
        b = pltpu.async_copy(
            z_hbm.at[izv.at[pl.ds(ci * CHUNK, CHUNK)]], zbuf.at[slot], sz.at[slot])
        return a, b

    pend = issue(0, 0)
    for ci in range(NCH):
        slot = ci % 2
        off = base + ci * CHUNK
        nxt = issue(ci + 1, 1 - slot) if ci + 1 < NCH else None

        def ploop(i2, c2, ci=ci):
            o = ci * (CHUNK * 4) + i2 * 16 + lax.iota(jnp.int32, 16)
            iv = plsc.load_gather(ixv, [o >> 2])
            vals = plsc.load_gather(ptab, [iv * 4 + (o & 3)])
            pkbuf[pl.ds(i2 * 16, 16)] = vals
            return c2

        lax.fori_loop(0, CHUNK * 4 // 16, ploop, 0)
        pltpu.sync_copy(pkbuf, pk_out.at[pl.ds(off * 4, CHUNK * 4)])
        a, b = pend
        a.wait()
        b.wait()
        pltpu.sync_copy(xbuf.at[slot], xk_out.at[pl.ds(off, CHUNK)])
        pltpu.sync_copy(zbuf.at[slot], zz_out.at[pl.ds(off, CHUNK)])
        pend = nxt


@functools.cache
def _make_sc_gather():
    return pl.kernel(
        _sc_gather_body,
        out_type=[
            jax.ShapeDtypeStruct((N, F), jnp.float32),
            jax.ShapeDtypeStruct((N, 2 * C), jnp.float32),
            jax.ShapeDtypeStruct((N * 4,), jnp.float32),
        ],
        mesh=plsc.VectorSubcoreMesh(
            core_axis_name="c", subcore_axis_name="s",
            num_cores=NC, num_subcores=NS),
        compiler_params=pltpu.CompilerParams(needs_layout_passes=False),
        scratch_types=[
            pltpu.VMEM((PER_W,), jnp.int32),
            pltpu.VMEM((PER_W,), jnp.int32),
            pltpu.VMEM((2, CHUNK, F), jnp.float32),
            pltpu.VMEM((2, CHUNK, 2 * C), jnp.float32),
            pltpu.VMEM((B * L * 4,), jnp.float32),
            pltpu.VMEM((CHUNK * 4,), jnp.float32),
            pltpu.SemaphoreType.DMA((2,)),
            pltpu.SemaphoreType.DMA((2,)),
        ],
    )


def _tc_body(x_ref, xk_ref, zz_ref, pk_ref, idx_ref, geo_ref,
             wq_ref, wk_ref, wv_ref, wp_ref,
             seg_ref, segt_ref, s8_ref,
             w1_ref, w2_ref, w3_ref, bout_ref, coef_ref, lng_ref, lnb_ref,
             o_ref):
    x = x_ref[...]
    xk = xk_ref[...]
    zz = zz_ref[...]
    pk4 = pk_ref[...]
    idxi = idx_ref[...]
    geo = geo_ref[...]

    q = jnp.dot(x, wq_ref[...], preferred_element_type=jnp.float32)
    k = jnp.dot(xk, wk_ref[...], preferred_element_type=jnp.float32)
    v = jnp.dot(xk, wv_ref[...], preferred_element_type=jnp.float32)

    par = (idxi & 1) > 0
    zk2 = jnp.where(par, zz[:, C:], zz[:, :C])

    qb = jnp.broadcast_to(q.reshape(TQ, 1, H * QK),
                          (TQ, M, H * QK)).reshape(TR, H * QK)
    ln2 = jnp.dot(k * qb, seg_ref[...], preferred_element_type=jnp.float32)

    lp2 = jnp.dot(zk2, wp_ref[...], preferred_element_type=jnp.float32)

    pselfb = jnp.broadcast_to(geo[:, 0:4].reshape(TQ, 1, 4),
                              (TQ, M, 4)).reshape(TR, 4)
    diff = pk4 - pselfb
    d2 = jnp.sum(diff * diff, axis=-1, keepdims=True)
    gamma = jnp.log(1.0 + jnp.exp(coef_ref[...]))
    ls2 = d2 * (gamma * (-np.sqrt(2.0 / 9.0) / 2.0))

    logits = (ln2 + lp2 + ls2) * np.sqrt(1.0 / 3.0)
    lg3 = logits.reshape(TQ, M, H)
    mx = jnp.max(lg3, axis=1, keepdims=True)
    e = jnp.exp(lg3 - mx)
    alpha3 = e / jnp.sum(e, axis=1, keepdims=True)
    alpha = alpha3.reshape(TR, H)

    s8 = s8_ref[...]
    av = v * jnp.dot(alpha, segt_ref[...], preferred_element_type=jnp.float32)
    fnode = jnp.dot(s8, av, preferred_element_type=jnp.float32)

    zp = jnp.concatenate([zk2, pk4], axis=1).reshape(TQ, M, C + 4)
    agg = jax.lax.dot_general(alpha.reshape(TQ, M, H), zp,
                              (((1,), (1,)), ((0,), (0,))),
                              preferred_element_type=jnp.float32)
    fp2n = agg[:, :, :C].reshape(TQ, H * C)
    ag = [agg[:, :, C + j].reshape(TQ, H) for j in range(3)]
    am = [ag[j] - geo[:, 4 + j:5 + j] for j in range(3)]
    fpt = [am[0] * geo[:, 8 + i:9 + i] + am[1] * geo[:, 11 + i:12 + i]
           + am[2] * geo[:, 14 + i:15 + i] for i in range(3)]
    dist = jnp.sqrt(fpt[0] * fpt[0] + fpt[1] * fpt[1] + fpt[2] * fpt[2])
    inv = 1.0 / (dist + 1e-4)
    small = jnp.concatenate(
        [fpt[0], fpt[1], fpt[2], dist, fpt[0] * inv, fpt[1] * inv,
         fpt[2] * inv, jnp.zeros((TQ, H), jnp.float32)], axis=-1)

    acc = (jnp.dot(fp2n, w1_ref[...], preferred_element_type=jnp.float32)
           + jnp.dot(fnode, w2_ref[...], preferred_element_type=jnp.float32)
           + jnp.dot(small, w3_ref[...], preferred_element_type=jnp.float32)
           + bout_ref[...])
    feat_all = acc * geo[:, 17:18]

    y = x + feat_all
    mu = jnp.mean(y, axis=-1, keepdims=True)
    yc = y - mu
    var = jnp.mean(yc * yc, axis=-1, keepdims=True)
    o_ref[...] = (yc * lax.rsqrt(var + 1e-5) * lng_ref[...]
                  + lnb_ref[...])


def _row_spec(rows, cols):
    return pl.BlockSpec((rows, cols), lambda i: (i, 0))


def _full_spec(rows, cols):
    return pl.BlockSpec((rows, cols), lambda i: (0, 0))


_TC_IN_SPECS = [
    _row_spec(TQ, F),
    _row_spec(TR, F),
    _row_spec(TR, 2 * C),
    _row_spec(TR, 4),
    _row_spec(TR, 1),
    _row_spec(TQ, 24),
    _full_spec(F, H * QK),
    _full_spec(F, H * QK),
    _full_spec(F, H * VD),
    _full_spec(C, H),
    _full_spec(H * QK, H),
    _full_spec(H, H * QK),
    _full_spec(TQ, TR),
    _full_spec(H * C, F),
    _full_spec(H * QK, F),
    _full_spec(96, F),
    _full_spec(1, F),
    _full_spec(1, H),
    _full_spec(1, F),
    _full_spec(1, F),
]

_tc_attention = pl.pallas_call(
    _tc_body,
    grid=(GRID,),
    in_specs=_TC_IN_SPECS,
    out_specs=_row_spec(TQ, F),
    out_shape=jax.ShapeDtypeStruct((B * L, F), jnp.float32),
)

_SEG = np.kron(np.eye(H), np.ones((QK, 1))).astype(np.float32)
_SEGT = np.kron(np.eye(H), np.ones((1, QK))).astype(np.float32)
_S8 = np.kron(np.eye(TQ), np.ones((1, M))).astype(np.float32)


def kernel(R, t, p_CB, x, z, mask, neighbors, Wq, Wk, Wv, Wpair,
           spatial_coef, Wout, bout, ln_gamma, ln_beta):
    f32 = jnp.float32
    nb = neighbors.astype(jnp.int32)
    boff = (jnp.arange(B, dtype=jnp.int32) * L)[:, None, None]
    idx_x = (nb + boff).reshape(-1)
    qoff = (jnp.arange(B * L, dtype=jnp.int32) * L).reshape(B, L, 1)
    idx_z2 = ((nb + qoff) >> 1).reshape(-1)

    xf = x.reshape(B * L, F).astype(f32)
    z2_tab = z.reshape(B * L * L // 2, 2 * C).astype(f32)
    p4 = jnp.concatenate(
        [p_CB.reshape(B * L, 3).astype(f32), jnp.zeros((B * L, 1), f32)],
        axis=1).reshape(-1)

    geo = jnp.concatenate(
        [p_CB.reshape(B * L, 3).astype(f32), jnp.zeros((B * L, 1), f32),
         t.reshape(B * L, 3).astype(f32), jnp.zeros((B * L, 1), f32),
         R.reshape(B * L, 9).astype(f32),
         mask.reshape(B * L, 1).astype(f32),
         jnp.zeros((B * L, 6), f32)], axis=1)

    xk_knn, zz_knn, pk_flat = _make_sc_gather()(xf, z2_tab, p4, idx_x, idx_z2)
    pk_knn = pk_flat.reshape(N, 4)

    idxf = idx_x.reshape(N, 1)

    w1 = Wout[:, :H * C].T
    w2 = Wout[:, H * C:H * C + H * QK].T
    base3 = H * C + H * QK
    wpts = Wout[:, base3:base3 + 36].reshape(F, H, 3).transpose(2, 1, 0)
    wdist = Wout[:, base3 + 36:base3 + 48].T
    wdir = Wout[:, base3 + 48:base3 + 84].reshape(F, H, 3).transpose(2, 1, 0)
    w3 = jnp.concatenate(
        [wpts.reshape(36, F), wdist, wdir.reshape(36, F),
         jnp.zeros((12, F), f32)], axis=0)

    out = _tc_attention(
        xf, xk_knn, zz_knn, pk_knn, idxf, geo,
        Wq.T, Wk.T, Wv.T, Wpair.T,
        _SEG, _SEGT, _S8,
        w1, w2, w3,
        bout.reshape(1, F), spatial_coef.reshape(1, H),
        ln_gamma.reshape(1, F), ln_beta.reshape(1, F))
    return out.reshape(B, L, F)

# --- scband reference (transcript-rebuilt; emitter-appended) ---
"""Pipeline reference for scband-geometric-energy-attention-29678224016079 (READ-ONLY COPY).

The authoritative reference and input builder live on the scoring server;
editing this copy changes nothing except your own understanding.
"""

import jax, jax.numpy as jnp
import numpy as np

B, L, M, F, C, H, QK, VD = 2, 384, 32, 128, 64, 12, 16, 16


def _heads(x, n_heads, n_ch):
    return x.reshape(x.shape[:-1] + (n_heads, n_ch))


def get_neighbors(a, neighbors):
    # a: (B, L, N, D), neighbors: (B, L, M) -> (B, L, M, N, D)
    b_idx = jnp.arange(a.shape[0])[:, None, None]
    return a[b_idx, neighbors]


def get_neighbors_z(a, neighbors):
    # a: (B, L, L, D), neighbors: (B, L, M) -> (B, L, M, D)
    return jnp.take_along_axis(a, neighbors[:, :, :, None], axis=2)


def global_to_local(R, t, q):
    # q: (B, L, H, 3); p = R^T (q - t)
    return jnp.einsum('blji,blhj->blhi', R, q - t[:, :, None, :])


def _alpha_from_logits(logits, mask, inf=100000.0):
    mask_row = mask[:, :, None, None]
    logits = jnp.where(mask_row, logits, logits - inf)
    alpha = jax.nn.softmax(logits, axis=2)
    alpha = jnp.where(mask_row, alpha, jnp.zeros_like(alpha))
    return alpha


def _forward(R, t, p_CB, x, z, mask, neighbors, Wq, Wk, Wv, Wpair, spatial_coef, Wout, bout, ln_gamma, ln_beta):
    z_knn = get_neighbors_z(z, neighbors)                      # (B,L,M,C)
    # node logits
    query_l = _heads(x @ Wq.T, H, QK)                          # (B,L,H,QK)
    key_l = _heads(x @ Wk.T, H, QK)
    key_l_knn = get_neighbors(key_l, neighbors)                # (B,L,M,H,QK)
    logits_node = jnp.einsum('blnd,blmnd->blmn', query_l, key_l_knn)
    # pair logits
    logits_pair = z_knn @ Wpair.T                              # (B,L,M,H)
    # spatial (beta) logits
    q = jnp.broadcast_to(p_CB[:, :, None, :], (B, L, H, 3))
    k_knn = get_neighbors(q, neighbors)                        # (B,L,M,H,3)
    sum_sq_dist = jnp.sum((q[:, :, None] - k_knn) ** 2, axis=-1)
    gamma = jax.nn.softplus(spatial_coef)
    logits_spatial = sum_sq_dist * (-1.0 * gamma * np.sqrt(2.0 / 9.0) / 2.0)
    logits_sum = logits_node + logits_pair + logits_spatial
    alpha = _alpha_from_logits(logits_sum * np.sqrt(1.0 / 3.0), mask)  # (B,L,M,H)
    # pair aggregation
    feat_p2n = (alpha[..., None] * z_knn[:, :, :, None, :]).sum(axis=2).reshape(B, L, -1)
    # node aggregation (original code uses query_key_dim for value heads)
    value_l = _heads(x @ Wv.T, H, QK)
    value_l_knn = get_neighbors(value_l, neighbors)
    feat_node = (alpha[..., None] * value_l_knn).sum(axis=2).reshape(B, L, -1)
    # beta aggregation
    v_knn = k_knn
    aggr = (alpha[:, :, :, :, None] * v_knn).sum(axis=2)       # (B,L,H,3)
    feat_points = global_to_local(R, t, aggr)
    feat_distance = jnp.linalg.norm(feat_points, axis=-1)
    feat_direction = feat_points / (jnp.linalg.norm(feat_points, axis=-1, keepdims=True) + 0.0001)
    feat_spatial = jnp.concatenate([feat_points.reshape(B, L, -1), feat_distance.reshape(B, L, -1), feat_direction.reshape(B, L, -1)], axis=-1)
    feat = jnp.concatenate([feat_p2n, feat_node, feat_spatial], axis=-1)
    feat_all = feat @ Wout.T + bout
    feat_all = jnp.where(mask[:, :, None], feat_all, jnp.zeros_like(feat_all))
    y = x + feat_all
    mu = y.mean(axis=-1, keepdims=True)
    var = ((y - mu) ** 2).mean(axis=-1, keepdims=True)
    out = (y - mu) / jnp.sqrt(var + 1e-5) * ln_gamma + ln_beta
    return out


def setup_inputs(seed: int = 0):
    key = jax.random.key(seed)
    ks = [jax.random.fold_in(key, i) for i in range(12)]
    R = jax.random.normal(ks[0], (B, L, 3, 3), jnp.float32)
    t = jax.random.normal(ks[1], (B, L, 3), jnp.float32)
    p_CB = jax.random.normal(ks[2], (B, L, 3), jnp.float32)
    x = jax.random.normal(ks[3], (B, L, F), jnp.float32)
    z = jax.random.normal(ks[4], (B, L, L, C), jnp.float32)
    mask = jnp.ones((B, L), dtype=bool)
    neighbors = jax.random.randint(ks[5], (B, L, M), 0, L)
    Wq = jax.random.normal(ks[6], (QK * H, F), jnp.float32) * 0.05
    Wk = jax.random.normal(ks[7], (QK * H, F), jnp.float32) * 0.05
    Wv = jax.random.normal(ks[8], (VD * H, F), jnp.float32) * 0.05
    Wpair = jax.random.normal(ks[9], (H, C), jnp.float32) * 0.05
    spatial_coef = jnp.full((1, 1, 1, H), np.log(np.exp(1.0) - 1.0), jnp.float32)
    out_in = H * C + H * VD + H * (3 + 3 + 1)
    Wout = jax.random.normal(ks[10], (F, out_in), jnp.float32) * 0.05
    bout = jnp.zeros((F,), jnp.float32)
    ln_gamma = jnp.ones((F,), jnp.float32)
    ln_beta = jnp.zeros((F,), jnp.float32)
    return {"R": R, "t": t, "p_CB": p_CB, "x": x, "z": z, "mask": mask, "neighbors": neighbors,
            "Wq": Wq, "Wk": Wk, "Wv": Wv, "Wpair": Wpair, "spatial_coef": spatial_coef,
            "Wout": Wout, "bout": bout, "ln_gamma": ln_gamma, "ln_beta": ln_beta}


def reference(R, t, p_CB, x, z, mask, neighbors, Wq, Wk, Wv, Wpair, spatial_coef, Wout, bout, ln_gamma, ln_beta):
    return _forward(R, t, p_CB, x, z, mask, neighbors, Wq, Wk, Wv, Wpair, spatial_coef, Wout, bout, ln_gamma, ln_beta)

if __name__ == "__main__":
    import jax
    _d = setup_inputs()
    print(jax.jit(kernel)(*tuple(_d.values())))

</pallas_src>

<mosaic_0001>
#map = affine_map<(d0, d1) -> (0, 0)>
#map1 = affine_map<(d0, d1) -> (0)>
module attributes {stable_mosaic.version = 14 : i64} {
  func.func @_sc_gather_body(%arg0: i32, %arg1: i32, %arg2: memref<768x128xf32, #tpu.memory_space<hbm>>, %arg3: memref<147456x128xf32, #tpu.memory_space<hbm>>, %arg4: memref<3072xf32, #tpu.memory_space<hbm>>, %arg5: memref<24576xi32, #tpu.memory_space<hbm>>, %arg6: memref<24576xi32, #tpu.memory_space<hbm>>, %arg7: memref<24576x128xf32, #tpu.memory_space<hbm>>, %arg8: memref<24576x128xf32, #tpu.memory_space<hbm>>, %arg9: memref<98304xf32, #tpu.memory_space<hbm>>, %arg10: memref<768xi32, #tpu.memory_space<vmem>>, %arg11: memref<768xi32, #tpu.memory_space<vmem>>, %arg12: memref<2x128x128xf32, #tpu.memory_space<vmem>>, %arg13: memref<2x128x128xf32, #tpu.memory_space<vmem>>, %arg14: memref<3072xf32, #tpu.memory_space<vmem>>, %arg15: memref<512xf32, #tpu.memory_space<vmem>>, %arg16: memref<2x!tpu.dma_semaphore, #tpu.memory_space<semaphore_mem>>, %arg17: memref<2x!tpu.dma_semaphore, #tpu.memory_space<semaphore_mem>>) attributes {dimension_semantics = [#tpu.dimension_semantics<core_parallel>, #tpu.dimension_semantics<subcore_parallel>], iteration_bounds = array<i64: 2, 16>, scalar_prefetch = 0 : i64, scratch_operands = 8 : i64, tpu.core_type = #tpu.core_type<sc_vector_subcore>, window_params = [{transform_indices = #map}, {transform_indices = #map}, {transform_indices = #map1}, {transform_indices = #map1}, {transform_indices = #map1}, {transform_indices = #map}, {transform_indices = #map}, {transform_indices = #map1}]} {
    %mul3A = arith.constant 2 : i32
    %mul3A_0 = arith.muli %arg1, %mul3A : i32
    %add3A = arith.addi %mul3A_0, %arg0 : i32
    %mul3A_1 = arith.constant 768 : i32
    %mul3A_2 = arith.muli %add3A, %mul3A_1 : i32
    %dma_start3A = arith.constant 0 : i32
    %dma_start3A_3 = tpu.memref_slice %arg5[%mul3A_2] : memref<24576xi32, #tpu.memory_space<hbm>> -> memref<768xi32, #tpu.memory_space<hbm>>
    %dma_start3A_4 = tpu.memref_slice %arg16[%dma_start3A] : memref<2x!tpu.dma_semaphore, #tpu.memory_space<semaphore_mem>> -> memref<1x!tpu.dma_semaphore, #tpu.memory_space<semaphore_mem>>
    %dma_start3A_5 = tpu.memref_squeeze %dma_start3A_4 : memref<1x!tpu.dma_semaphore, #tpu.memory_space<semaphore_mem>> -> memref<!tpu.dma_semaphore, #tpu.memory_space<semaphore_mem>>
    %dma_start3A_6 = tpu.memref_slice %arg5[%mul3A_2] : memref<24576xi32, #tpu.memory_space<hbm>> -> memref<768xi32, #tpu.memory_space<hbm>>
    tpu.enqueue_dma source(%dma_start3A_6 : memref<768xi32, #tpu.memory_space<hbm>>) target(%arg10 : memref<768xi32, #tpu.memory_space<vmem>>) target_semaphore(%dma_start3A_5 : memref<!tpu.dma_semaphore, #tpu.memory_space<semaphore_mem>>)
    %dma_start3A_7 = arith.constant 0 : i32
    %dma_start3A_8 = tpu.memref_slice %arg6[%mul3A_2] : memref<24576xi32, #tpu.memory_space<hbm>> -> memref<768xi32, #tpu.memory_space<hbm>>
    %dma_start3A_9 = tpu.memref_slice %arg17[%dma_start3A_7] : memref<2x!tpu.dma_semaphore, #tpu.memory_space<semaphore_mem>> -> memref<1x!tpu.dma_semaphore, #tpu.memory_space<semaphore_mem>>
    %dma_start3A_10 = tpu.memref_squeeze %dma_start3A_9 : memref<1x!tpu.dma_semaphore, #tpu.memory_space<semaphore_mem>> -> memref<!tpu.dma_semaphore, #tpu.memory_space<semaphore_mem>>
    %dma_start3A_11 = tpu.memref_slice %arg6[%mul3A_2] : memref<24576xi32, #tpu.memory_space<hbm>> -> memref<768xi32, #tpu.memory_space<hbm>>
    tpu.enqueue_dma source(%dma_start3A_11 : memref<768xi32, #tpu.memory_space<hbm>>) target(%arg11 : memref<768xi32, #tpu.memory_space<vmem>>) target_semaphore(%dma_start3A_10 : memref<!tpu.dma_semaphore, #tpu.memory_space<semaphore_mem>>)
    "tpu.region"() ({
      %run_scoped3A_403 = tpu.sem_alloc : memref<!tpu.dma_semaphore, #tpu.memory_space<semaphore_mem>>
      tpu.enqueue_dma source(%arg4 : memref<3072xf32, #tpu.memory_space<hbm>>) target(%arg14 : memref<3072xf32, #tpu.memory_space<vmem>>) target_semaphore(%run_scoped3A_403 : memref<!tpu.dma_semaphore, #tpu.memory_space<semaphore_mem>>)
      tpu.wait_dma2 semaphore(%run_scoped3A_403 : memref<!tpu.dma_semaphore, #tpu.memory_space<semaphore_mem>>) src(%arg4 : memref<3072xf32, #tpu.memory_space<hbm>>) dst(%arg14 : memref<3072xf32, #tpu.memory_space<vmem>>)
      tpu.yield
    }) : () -> ()
    %dma_wait3A = arith.constant 0 : i32
    %dma_wait3A_12 = tpu.memref_slice %arg5[%mul3A_2] : memref<24576xi32, #tpu.memory_space<hbm>> -> memref<768xi32, #tpu.memory_space<hbm>>
    %dma_wait3A_13 = tpu.memref_slice %arg16[%dma_wait3A] : memref<2x!tpu.dma_semaphore, #tpu.memory_space<semaphore_mem>> -> memref<1x!tpu.dma_semaphore, #tpu.memory_space<semaphore_mem>>
    %dma_wait3A_14 = tpu.memref_squeeze %dma_wait3A_13 : memref<1x!tpu.dma_semaphore, #tpu.memory_space<semaphore_mem>> -> memref<!tpu.dma_semaphore, #tpu.memory_space<semaphore_mem>>
    %dma_wait3A_15 = tpu.memref_slice %arg5[%mul3A_2] : memref<24576xi32, #tpu.memory_space<hbm>> -> memref<768xi32, #tpu.memory_space<hbm>>
    tpu.wait_dma2 semaphore(%dma_wait3A_14 : memref<!tpu.dma_semaphore, #tpu.memory_space<semaphore_mem>>) src(%dma_wait3A_15 : memref<768xi32, #tpu.memory_space<hbm>>) dst(%arg10 : memref<768xi32, #tpu.memory_space<vmem>>)
    %dma_wait3A_16 = arith.constant 0 : i32
    %dma_wait3A_17 = tpu.memref_slice %arg6[%mul3A_2] : memref<24576xi32, #tpu.memory_space<hbm>> -> memref<768xi32, #tpu.memory_space<hbm>>
    %dma_wait3A_18 = tpu.memref_slice %arg17[%dma_wait3A_16] : memref<2x!tpu.dma_semaphore, #tpu.memory_space<semaphore_mem>> -> memref<1x!tpu.dma_semaphore, #tpu.memory_space<semaphore_mem>>
    %dma_wait3A_19 = tpu.memref_squeeze %dma_wait3A_18 : memref<1x!tpu.dma_semaphore, #tpu.memory_space<semaphore_mem>> -> memref<!tpu.dma_semaphore, #tpu.memory_space<semaphore_mem>>
    %dma_wait3A_20 = tpu.memref_slice %arg6[%mul3A_2] : memref<24576xi32, #tpu.memory_space<hbm>> -> memref<768xi32, #tpu.memory_space<hbm>>
    tpu.wait_dma2 semaphore(%dma_wait3A_19 : memref<!tpu.dma_semaphore, #tpu.memory_space<semaphore_mem>>) src(%dma_wait3A_20 : memref<768xi32, #tpu.memory_space<hbm>>) dst(%arg11 : memref<768xi32, #tpu.memory_space<vmem>>)
    %dma_start3A_21 = arith.constant 0 : i32
    %dma_start3A_22 = arith.constant 0 : i32
    %dma_start3A_23 = arith.constant 0 : i32
    %dma_start3A_24 = arith.constant 0 : i32
    %dma_start3A_25 = tpu.memref_slice %arg12[%dma_start3A_21, %dma_start3A_23, %dma_start3A_24] : memref<2x128x128xf32, #tpu.memory_space<vmem>> -> memref<1x128x128xf32, #tpu.memory_space<vmem>>
    %dma_start3A_26 = tpu.memref_squeeze %dma_start3A_25 : memref<1x128x128xf32, #tpu.memory_space<vmem>> -> memref<128x128xf32, #tpu.memory_space<vmem>>
    %dma_start3A_27 = arith.constant 0 : i32
    %dma_start3A_28 = tpu.memref_slice %arg10[%dma_start3A_27] : memref<768xi32, #tpu.memory_space<vmem>> -> memref<128xi32, #tpu.memory_space<vmem>>
    %dma_start3A_29 = arith.constant 0 : i32
    %dma_start3A_30 = arith.constant 0 : i32
    %dma_start3A_31 = tpu.memref_slice %arg2[%dma_start3A_29, %dma_start3A_30] : memref<768x128xf32, #tpu.memory_space<hbm>> -> memref<768x128xf32, #tpu.memory_space<hbm>>
    %dma_start3A_32 = tpu.memref_slice %arg16[%dma_start3A_22] : memref<2x!tpu.dma_semaphore, #tpu.memory_space<semaphore_mem>> -> memref<1x!tpu.dma_semaphore, #tpu.memory_space<semaphore_mem>>
    %dma_start3A_33 = tpu.memref_squeeze %dma_start3A_32 : memref<1x!tpu.dma_semaphore, #tpu.memory_space<semaphore_mem>> -> memref<!tpu.dma_semaphore, #tpu.memory_space<semaphore_mem>>
    tpu.enqueue_indirect_dma source(%dma_start3A_31 : memref<768x128xf32, #tpu.memory_space<hbm>>) target(%dma_start3A_26 : memref<128x128xf32, #tpu.memory_space<vmem>>) offsets(%dma_start3A_28 : memref<128xi32, #tpu.memory_space<vmem>>) semaphore(%dma_start3A_33 : memref<!tpu.dma_semaphore, #tpu.memory_space<semaphore_mem>>)
    %dma_start3A_34 = arith.constant 0 : i32
    %dma_start3A_35 = arith.constant 0 : i32
    %dma_start3A_36 = arith.constant 0 : i32
    %dma_start3A_37 = arith.constant 0 : i32
    %dma_start3A_38 = tpu.memref_slice %arg13[%dma_start3A_34, %dma_start3A_36, %dma_start3A_37] : memref<2x128x128xf32, #tpu.memory_space<vmem>> -> memref<1x128x128xf32, #tpu.memory_space<vmem>>
    %dma_start3A_39 = tpu.memref_squeeze %dma_start3A_38 : memref<1x128x128xf32, #tpu.memory_space<vmem>> -> memref<128x128xf32, #tpu.memory_space<vmem>>
    %dma_start3A_40 = arith.constant 0 : i32
    %dma_start3A_41 = tpu.memref_slice %arg11[%dma_start3A_40] : memref<768xi32, #tpu.memory_space<vmem>> -> memref<128xi32, #tpu.memory_space<vmem>>
    %dma_start3A_42 = arith.constant 0 : i32
    %dma_start3A_43 = arith.constant 0 : i32
    %dma_start3A_44 = tpu.memref_slice %arg3[%dma_start3A_42, %dma_start3A_43] : memref<147456x128xf32, #tpu.memory_space<hbm>> -> memref<147456x128xf32, #tpu.memory_space<hbm>>
    %dma_start3A_45 = tpu.memref_slice %arg17[%dma_start3A_35] : memref<2x!tpu.dma_semaphore, #tpu.memory_space<semaphore_mem>> -> memref<1x!tpu.dma_semaphore, #tpu.memory_space<semaphore_mem>>
    %dma_start3A_46 = tpu.memref_squeeze %dma_start3A_45 : memref<1x!tpu.dma_semaphore, #tpu.memory_space<semaphore_mem>> -> memref<!tpu.dma_semaphore, #tpu.memory_space<semaphore_mem>>
    tpu.enqueue_indirect_dma source(%dma_start3A_44 : memref<147456x128xf32, #tpu.memory_space<hbm>>) target(%dma_start3A_39 : memref<128x128xf32, #tpu.memory_space<vmem>>) offsets(%dma_start3A_41 : memref<128xi32, #tpu.memory_space<vmem>>) semaphore(%dma_start3A_46 : memref<!tpu.dma_semaphore, #tpu.memory_space<semaphore_mem>>)
    %add3A_47 = arith.constant 0 : i32
    %add3A_48 = arith.addi %mul3A_2, %add3A_47 : i32
    %dma_start3A_49 = arith.constant 1 : i32
    %dma_start3A_50 = arith.constant 1 : i32
    %dma_start3A_51 = arith.constant 0 : i32
    %dma_start3A_52 = arith.constant 0 : i32
    %dma_start3A_53 = tpu.memref_slice %arg12[%dma_start3A_49, %dma_start3A_51, %dma_start3A_52] : memref<2x128x128xf32, #tpu.memory_space<vmem>> -> memref<1x128x128xf32, #tpu.memory_space<vmem>>
    %dma_start3A_54 = tpu.memref_squeeze %dma_start3A_53 : memref<1x128x128xf32, #tpu.memory_space<vmem>> -> memref<128x128xf32, #tpu.memory_space<vmem>>
    %dma_start3A_55 = arith.constant 128 : i32
    %dma_start3A_56 = tpu.memref_slice %arg10[%dma_start3A_55] : memref<768xi32, #tpu.memory_space<vmem>> -> memref<128xi32, #tpu.memory_space<vmem>>
    %dma_start3A_57 = arith.constant 0 : i32
    %dma_start3A_58 = arith.constant 0 : i32
    %dma_start3A_59 = tpu.memref_slice %arg2[%dma_start3A_57, %dma_start3A_58] : memref<768x128xf32, #tpu.memory_space<hbm>> -> memref<768x128xf32, #tpu.memory_space<hbm>>
    %dma_start3A_60 = tpu.memref_slice %arg16[%dma_start3A_50] : memref<2x!tpu.dma_semaphore, #tpu.memory_space<semaphore_mem>> -> memref<1x!tpu.dma_semaphore, #tpu.memory_space<semaphore_mem>>
    %dma_start3A_61 = tpu.memref_squeeze %dma_start3A_60 : memref<1x!tpu.dma_semaphore, #tpu.memory_space<semaphore_mem>> -> memref<!tpu.dma_semaphore, #tpu.memory_space<semaphore_mem>>
    tpu.enqueue_indirect_dma source(%dma_start3A_59 : memref<768x128xf32, #tpu.memory_space<hbm>>) target(%dma_start3A_54 : memref<128x128xf32, #tpu.memory_space<vmem>>) offsets(%dma_start3A_56 : memref<128xi32, #tpu.memory_space<vmem>>) semaphore(%dma_start3A_61 : memref<!tpu.dma_semaphore, #tpu.memory_space<semaphore_mem>>)
    %dma_start3A_62 = arith.constant 1 : i32
    %dma_start3A_63 = arith.constant 1 : i32
    %dma_start3A_64 = arith.constant 0 : i32
    %dma_start3A_65 = arith.constant 0 : i32
    %dma_start3A_66 = tpu.memref_slice %arg13[%dma_start3A_62, %dma_start3A_64, %dma_start3A_65] : memref<2x128x128xf32, #tpu.memory_space<vmem>> -> memref<1x128x128xf32, #tpu.memory_space<vmem>>
    %dma_start3A_67 = tpu.memref_squeeze %dma_start3A_66 : memref<1x128x128xf32, #tpu.memory_space<vmem>> -> memref<128x128xf32, #tpu.memory_space<vmem>>
    %dma_start3A_68 = arith.constant 128 : i32
    %dma_start3A_69 = tpu.memref_slice %arg11[%dma_start3A_68] : memref<768xi32, #tpu.memory_space<vmem>> -> memref<128xi32, #tpu.memory_space<vmem>>
    %dma_start3A_70 = arith.constant 0 : i32
    %dma_start3A_71 = arith.constant 0 : i32
    %dma_start3A_72 = tpu.memref_slice %arg3[%dma_start3A_70, %dma_start3A_71] : memref<147456x128xf32, #tpu.memory_space<hbm>> -> memref<147456x128xf32, #tpu.memory_space<hbm>>
    %dma_start3A_73 = tpu.memref_slice %arg17[%dma_start3A_63] : memref<2x!tpu.dma_semaphore, #tpu.memory_space<semaphore_mem>> -> memref<1x!tpu.dma_semaphore, #tpu.memory_space<semaphore_mem>>
    %dma_start3A_74 = tpu.memref_squeeze %dma_start3A_73 : memref<1x!tpu.dma_semaphore, #tpu.memory_space<semaphore_mem>> -> memref<!tpu.dma_semaphore, #tpu.memory_space<semaphore_mem>>
    tpu.enqueue_indirect_dma source(%dma_start3A_72 : memref<147456x128xf32, #tpu.memory_space<hbm>>) target(%dma_start3A_67 : memref<128x128xf32, #tpu.memory_space<vmem>>) offsets(%dma_start3A_69 : memref<128xi32, #tpu.memory_space<vmem>>) semaphore(%dma_start3A_74 : memref<!tpu.dma_semaphore, #tpu.memory_space<semaphore_mem>>)
    %scan3A = arith.constant 0 : i32
    %scan3A_75 = arith.constant 0 : i32
    %scan3A_76 = arith.constant 32 : i32
    %scan3A_77 = arith.addi %scan3A_75, %scan3A_76 : i32
    %scan3A_78 = arith.constant 1 : i32
    scf.for %scan3A_403 = %scan3A_75 to %scan3A_77 step %scan3A_78  : i32 {
      %mul3A_404 = arith.constant 16 : i32
      %mul3A_405 = arith.muli %scan3A_403, %mul3A_404 : i32
      %add3A_406 = arith.constant 0 : i32
      %add3A_407 = arith.addi %add3A_406, %mul3A_405 : i32
      %iota3A = tpu.iota {dimensions = array<i32: 0>} : vector<16xi32>
      %add3A_408 = vector.broadcast %add3A_407 : i32 to vector<16xi32>
      %add3A_409 = arith.addi %add3A_408, %iota3A : vector<16xi32>
      %shift_right_arithmetic3A = arith.constant 2 : i32
      %shift_right_arithmetic3A_410 = vector.broadcast %shift_right_arithmetic3A : i32 to vector<16xi32>
      %shift_right_arithmetic3A_411 = arith.shrsi %add3A_409, %shift_right_arithmetic3A_410 : vector<16xi32>
      %gather3A = tpu.vector_load_idx %arg10[%shift_right_arithmetic3A_411] : memref<768xi32, #tpu.memory_space<vmem>>[vector<16xi32>], vector<16xi32>,
      %mul3A_412 = arith.constant 4 : i32
      %mul3A_413 = vector.broadcast %mul3A_412 : i32 to vector<16xi32>
      %mul3A_414 = arith.muli %gather3A, %mul3A_413 : vector<16xi32>
      %and3A = arith.constant 3 : i32
      %and3A_415 = vector.broadcast %and3A : i32 to vector<16xi32>
      %and3A_416 = arith.andi %add3A_409, %and3A_415 : vector<16xi32>
      %add3A_417 = arith.addi %mul3A_414, %and3A_416 : vector<16xi32>
      %gather3A_418 = tpu.vector_load_idx %arg14[%add3A_417] : memref<3072xf32, #tpu.memory_space<vmem>>[vector<16xi32>], vector<16xf32>,
      %mul3A_419 = arith.constant 16 : i32
      %mul3A_420 = arith.muli %scan3A_403, %mul3A_419 : i32
      %swap3A = arith.index_cast %mul3A_420 : i32 to index
      %swap3A_421 = tpu.vector_load %arg15[%swap3A] {strides = array<i32>} : memref<512xf32, #tpu.memory_space<vmem>>, vector<16xf32>,
      tpu.vector_store %arg15[%swap3A], %gather3A_418 {strides = array<i32>} : memref<512xf32, #tpu.memory_space<vmem>>, vector<16xf32>,
    }
    %scan3A_79 = arith.constant 32 : i32
    %mul3A_80 = arith.constant 4 : i32
    %mul3A_81 = arith.muli %add3A_48, %mul3A_80 : i32
    "tpu.region"() ({
      %run_scoped3A_403 = tpu.sem_alloc : memref<!tpu.dma_semaphore, #tpu.memory_space<semaphore_mem>>
      %dma_start3A_404 = tpu.memref_slice %arg9[%mul3A_81] : memref<98304xf32, #tpu.memory_space<hbm>> -> memref<512xf32, #tpu.memory_space<hbm>>
      %dma_start3A_405 = tpu.memref_slice %arg9[%mul3A_81] : memref<98304xf32, #tpu.memory_space<hbm>> -> memref<512xf32, #tpu.memory_space<hbm>>
      tpu.enqueue_dma source(%arg15 : memref<512xf32, #tpu.memory_space<vmem>>) target(%dma_start3A_405 : memref<512xf32, #tpu.memory_space<hbm>>) target_semaphore(%run_scoped3A_403 : memref<!tpu.dma_semaphore, #tpu.memory_space<semaphore_mem>>)
      %dma_wait3A_406 = tpu.memref_slice %arg9[%mul3A_81] : memref<98304xf32, #tpu.memory_space<hbm>> -> memref<512xf32, #tpu.memory_space<hbm>>
      %dma_wait3A_407 = tpu.memref_slice %arg9[%mul3A_81] : memref<98304xf32, #tpu.memory_space<hbm>> -> memref<512xf32, #tpu.memory_space<hbm>>
      tpu.wait_dma2 semaphore(%run_scoped3A_403 : memref<!tpu.dma_semaphore, #tpu.memory_space<semaphore_mem>>) src(%arg15 : memref<512xf32, #tpu.memory_space<vmem>>) dst(%dma_wait3A_407 : memref<512xf32, #tpu.memory_space<hbm>>)
      tpu.yield
    }) : () -> ()
    %dma_wait3A_82 = arith.constant 0 : i32
    %dma_wait3A_83 = arith.constant 0 : i32
    %dma_wait3A_84 = arith.constant 0 : i32
    %dma_wait3A_85 = arith.constant 0 : i32
    %dma_wait3A_86 = tpu.memref_slice %arg12[%dma_wait3A_82, %dma_wait3A_84, %dma_wait3A_85] : memref<2x128x128xf32, #tpu.memory_space<vmem>> -> memref<1x128x128xf32, #tpu.memory_space<vmem>>
    %dma_wait3A_87 = tpu.memref_squeeze %dma_wait3A_86 : memref<1x128x128xf32, #tpu.memory_space<vmem>> -> memref<128x128xf32, #tpu.memory_space<vmem>>
    %dma_wait3A_88 = arith.constant 0 : i32
    %dma_wait3A_89 = tpu.memref_slice %arg10[%dma_wait3A_88] : memref<768xi32, #tpu.memory_space<vmem>> -> memref<128xi32, #tpu.memory_space<vmem>>
    %dma_wait3A_90 = arith.constant 0 : i32
    %dma_wait3A_91 = arith.constant 0 : i32
    %dma_wait3A_92 = tpu.memref_slice %arg2[%dma_wait3A_90, %dma_wait3A_91] : memref<768x128xf32, #tpu.memory_space<hbm>> -> memref<768x128xf32, #tpu.memory_space<hbm>>
    %dma_wait3A_93 = tpu.memref_slice %arg16[%dma_wait3A_83] : memref<2x!tpu.dma_semaphore, #tpu.memory_space<semaphore_mem>> -> memref<1x!tpu.dma_semaphore, #tpu.memory_space<semaphore_mem>>
    %dma_wait3A_94 = tpu.memref_squeeze %dma_wait3A_93 : memref<1x!tpu.dma_semaphore, #tpu.memory_space<semaphore_mem>> -> memref<!tpu.dma_semaphore, #tpu.memory_space<semaphore_mem>>
    tpu.wait_indirect_dma semaphore(%dma_wait3A_94 : memref<!tpu.dma_semaphore, #tpu.memory_space<semaphore_mem>>) src(%dma_wait3A_92 : memref<768x128xf32, #tpu.memory_space<hbm>>) dst(%dma_wait3A_87 : memref<128x128xf32, #tpu.memory_space<vmem>>)
    %dma_wait3A_95 = arith.constant 0 : i32
    %dma_wait3A_96 = arith.constant 0 : i32
    %dma_wait3A_97 = arith.constant 0 : i32
    %dma_wait3A_98 = arith.constant 0 : i32
    %dma_wait3A_99 = tpu.memref_slice %arg13[%dma_wait3A_95, %dma_wait3A_97, %dma_wait3A_98] : memref<2x128x128xf32, #tpu.memory_space<vmem>> -> memref<1x128x128xf32, #tpu.memory_space<vmem>>
    %dma_wait3A_100 = tpu.memref_squeeze %dma_wait3A_99 : memref<1x128x128xf32, #tpu.memory_space<vmem>> -> memref<128x128xf32, #tpu.memory_space<vmem>>
    %dma_wait3A_101 = arith.constant 0 : i32
    %dma_wait3A_102 = tpu.memref_slice %arg11[%dma_wait3A_101] : memref<768xi32, #tpu.memory_space<vmem>> -> memref<128xi32, #tpu.memory_space<vmem>>
    %dma_wait3A_103 = arith.constant 0 : i32
    %dma_wait3A_104 = arith.constant 0 : i32
    %dma_wait3A_105 = tpu.memref_slice %arg3[%dma_wait3A_103, %dma_wait3A_104] : memref<147456x128xf32, #tpu.memory_space<hbm>> -> memref<147456x128xf32, #tpu.memory_space<hbm>>
    %dma_wait3A_106 = tpu.memref_slice %arg17[%dma_wait3A_96] : memref<2x!tpu.dma_semaphore, #tpu.memory_space<semaphore_mem>> -> memref<1x!tpu.dma_semaphore, #tpu.memory_space<semaphore_mem>>
    %dma_wait3A_107 = tpu.memref_squeeze %dma_wait3A_106 : memref<1x!tpu.dma_semaphore, #tpu.memory_space<semaphore_mem>> -> memref<!tpu.dma_semaphore, #tpu.memory_space<semaphore_mem>>
    tpu.wait_indirect_dma semaphore(%dma_wait3A_107 : memref<!tpu.dma_semaphore, #tpu.memory_space<semaphore_mem>>) src(%dma_wait3A_105 : memref<147456x128xf32, #tpu.memory_space<hbm>>) dst(%dma_wait3A_100 : memref<128x128xf32, #tpu.memory_space<vmem>>)
    %run_scoped3A = arith.constant 0 : i32
    "tpu.region"() ({
      %run_scoped3A_403 = tpu.sem_alloc : memref<!tpu.dma_semaphore, #tpu.memory_space<semaphore_mem>>
      %dma_start3A_404 = arith.constant 0 : i32
      %dma_start3A_405 = arith.constant 0 : i32
      %dma_start3A_406 = tpu.memref_slice %arg12[%run_scoped3A, %dma_start3A_404, %dma_start3A_405] : memref<2x128x128xf32, #tpu.memory_space<vmem>> -> memref<1x128x128xf32, #tpu.memory_space<vmem>>
      %dma_start3A_407 = tpu.memref_squeeze %dma_start3A_406 : memref<1x128x128xf32, #tpu.memory_space<vmem>> -> memref<128x128xf32, #tpu.memory_space<vmem>>
      %dma_start3A_408 = arith.constant 0 : i32
      %dma_start3A_409 = tpu.memref_slice %arg7[%add3A_48, %dma_start3A_408] : memref<24576x128xf32, #tpu.memory_space<hbm>> -> memref<128x128xf32, #tpu.memory_space<hbm>>
      %dma_start3A_410 = arith.constant 0 : i32
      %dma_start3A_411 = tpu.memref_slice %arg7[%add3A_48, %dma_start3A_410] : memref<24576x128xf32, #tpu.memory_space<hbm>> -> memref<128x128xf32, #tpu.memory_space<hbm>>
      %dma_start3A_412 = arith.constant 0 : i32
      %dma_start3A_413 = arith.constant 0 : i32
      %dma_start3A_414 = tpu.memref_slice %arg12[%run_scoped3A, %dma_start3A_412, %dma_start3A_413] : memref<2x128x128xf32, #tpu.memory_space<vmem>> -> memref<1x128x128xf32, #tpu.memory_space<vmem>>
      %dma_start3A_415 = tpu.memref_squeeze %dma_start3A_414 : memref<1x128x128xf32, #tpu.memory_space<vmem>> -> memref<128x128xf32, #tpu.memory_space<vmem>>
      tpu.enqueue_dma source(%dma_start3A_415 : memref<128x128xf32, #tpu.memory_space<vmem>>) target(%dma_start3A_411 : memref<128x128xf32, #tpu.memory_space<hbm>>) target_semaphore(%run_scoped3A_403 : memref<!tpu.dma_semaphore, #tpu.memory_space<semaphore_mem>>)
      %dma_wait3A_416 = arith.constant 0 : i32
      %dma_wait3A_417 = arith.constant 0 : i32
      %dma_wait3A_418 = tpu.memref_slice %arg12[%run_scoped3A, %dma_wait3A_416, %dma_wait3A_417] : memref<2x128x128xf32, #tpu.memory_space<vmem>> -> memref<1x128x128xf32, #tpu.memory_space<vmem>>
      %dma_wait3A_419 = tpu.memref_squeeze %dma_wait3A_418 : memref<1x128x128xf32, #tpu.memory_space<vmem>> -> memref<128x128xf32, #tpu.memory_space<vmem>>
      %dma_wait3A_420 = arith.constant 0 : i32
      %dma_wait3A_421 = tpu.memref_slice %arg7[%add3A_48, %dma_wait3A_420] : memref<24576x128xf32, #tpu.memory_space<hbm>> -> memref<128x128xf32, #tpu.memory_space<hbm>>
      %dma_wait3A_422 = arith.constant 0 : i32
      %dma_wait3A_423 = tpu.memref_slice %arg7[%add3A_48, %dma_wait3A_422] : memref<24576x128xf32, #tpu.memory_space<hbm>> -> memref<128x128xf32, #tpu.memory_space<hbm>>
      %dma_wait3A_424 = arith.constant 0 : i32
      %dma_wait3A_425 = arith.constant 0 : i32
      %dma_wait3A_426 = tpu.memref_slice %arg12[%run_scoped3A, %dma_wait3A_424, %dma_wait3A_425] : memref<2x128x128xf32, #tpu.memory_space<vmem>> -> memref<1x128x128xf32, #tpu.memory_space<vmem>>
      %dma_wait3A_427 = tpu.memref_squeeze %dma_wait3A_426 : memref<1x128x128xf32, #tpu.memory_space<vmem>> -> memref<128x128xf32, #tpu.memory_space<vmem>>
      tpu.wait_dma2 semaphore(%run_scoped3A_403 : memref<!tpu.dma_semaphore, #tpu.memory_space<semaphore_mem>>) src(%dma_wait3A_427 : memref<128x128xf32, #tpu.memory_space<vmem>>) dst(%dma_wait3A_423 : memref<128x128xf32, #tpu.memory_space<hbm>>)
      tpu.yield
    }) : () -> ()
    %run_scoped3A_108 = arith.constant 0 : i32
    "tpu.region"() ({
      %run_scoped3A_403 = tpu.sem_alloc : memref<!tpu.dma_semaphore, #tpu.memory_space<semaphore_mem>>
      %dma_start3A_404 = arith.constant 0 : i32
      %dma_start3A_405 = arith.constant 0 : i32
      %dma_start3A_406 = tpu.memref_slice %arg13[%run_scoped3A_108, %dma_start3A_404, %dma_start3A_405] : memref<2x128x128xf32, #tpu.memory_space<vmem>> -> memref<1x128x128xf32, #tpu.memory_space<vmem>>
      %dma_start3A_407 = tpu.memref_squeeze %dma_start3A_406 : memref<1x128x128xf32, #tpu.memory_space<vmem>> -> memref<128x128xf32, #tpu.memory_space<vmem>>
      %dma_start3A_408 = arith.constant 0 : i32
      %dma_start3A_409 = tpu.memref_slice %arg8[%add3A_48, %dma_start3A_408] : memref<24576x128xf32, #tpu.memory_space<hbm>> -> memref<128x128xf32, #tpu.memory_space<hbm>>
      %dma_start3A_410 = arith.constant 0 : i32
      %dma_start3A_411 = tpu.memref_slice %arg8[%add3A_48, %dma_start3A_410] : memref<24576x128xf32, #tpu.memory_space<hbm>> -> memref<128x128xf32, #tpu.memory_space<hbm>>
      %dma_start3A_412 = arith.constant 0 : i32
      %dma_start3A_413 = arith.constant 0 : i32
      %dma_start3A_414 = tpu.memref_slice %arg13[%run_scoped3A_108, %dma_start3A_412, %dma_start3A_413] : memref<2x128x128xf32, #tpu.memory_space<vmem>> -> memref<1x128x128xf32, #tpu.memory_space<vmem>>
      %dma_start3A_415 = tpu.memref_squeeze %dma_start3A_414 : memref<1x128x128xf32, #tpu.memory_space<vmem>> -> memref<128x128xf32, #tpu.memory_space<vmem>>
      tpu.enqueue_dma source(%dma_start3A_415 : memref<128x128xf32, #tpu.memory_space<vmem>>) target(%dma_start3A_411 : memref<128x128xf32, #tpu.memory_space<hbm>>) target_semaphore(%run_scoped3A_403 : memref<!tpu.dma_semaphore, #tpu.memory_space<semaphore_mem>>)
      %dma_wait3A_416 = arith.constant 0 : i32
      %dma_wait3A_417 = arith.constant 0 : i32
      %dma_wait3A_418 = tpu.memref_slice %arg13[%run_scoped3A_108, %dma_wait3A_416, %dma_wait3A_417] : memref<2x128x128xf32, #tpu.memory_space<vmem>> -> memref<1x128x128xf32, #tpu.memory_space<vmem>>
      %dma_wait3A_419 = tpu.memref_squeeze %dma_wait3A_418 : memref<1x128x128xf32, #tpu.memory_space<vmem>> -> memref<128x128xf32, #tpu.memory_space<vmem>>
      %dma_wait3A_420 = arith.constant 0 : i32
      %dma_wait3A_421 = tpu.memref_slice %arg8[%add3A_48, %dma_wait3A_420] : memref<24576x128xf32, #tpu.memory_space<hbm>> -> memref<128x128xf32, #tpu.memory_space<hbm>>
      %dma_wait3A_422 = arith.constant 0 : i32
      %dma_wait3A_423 = tpu.memref_slice %arg8[%add3A_48, %dma_wait3A_422] : memref<24576x128xf32, #tpu.memory_space<hbm>> -> memref<128x128xf32, #tpu.memory_space<hbm>>
      %dma_wait3A_424 = arith.constant 0 : i32
      %dma_wait3A_425 = arith.constant 0 : i32
      %dma_wait3A_426 = tpu.memref_slice %arg13[%run_scoped3A_108, %dma_wait3A_424, %dma_wait3A_425] : memref<2x128x128xf32, #tpu.memory_space<vmem>> -> memref<1x128x128xf32, #tpu.memory_space<vmem>>
      %dma_wait3A_427 = tpu.memref_squeeze %dma_wait3A_426 : memref<1x128x128xf32, #tpu.memory_space<vmem>> -> memref<128x128xf32, #tpu.memory_space<vmem>>
      tpu.wait_dma2 semaphore(%run_scoped3A_403 : memref<!tpu.dma_semaphore, #tpu.memory_space<semaphore_mem>>) src(%dma_wait3A_427 : memref<128x128xf32, #tpu.memory_space<vmem>>) dst(%dma_wait3A_423 : memref<128x128xf32, #tpu.memory_space<hbm>>)
      tpu.yield
    }) : () -> ()
    %add3A_109 = arith.constant 128 : i32
    %add3A_110 = arith.addi %mul3A_2, %add3A_109 : i32
    %dma_start3A_111 = arith.constant 0 : i32
    %dma_start3A_112 = arith.constant 0 : i32
    %dma_start3A_113 = arith.constant 0 : i32
    %dma_start3A_114 = arith.constant 0 : i32
    %dma_start3A_115 = tpu.memref_slice %arg12[%dma_start3A_111, %dma_start3A_113, %dma_start3A_114] : memref<2x128x128xf32, #tpu.memory_space<vmem>> -> memref<1x128x128xf32, #tpu.memory_space<vmem>>
    %dma_start3A_116 = tpu.memref_squeeze %dma_start3A_115 : memref<1x128x128xf32, #tpu.memory_space<vmem>> -> memref<128x128xf32, #tpu.memory_space<vmem>>
    %dma_start3A_117 = arith.constant 256 : i32
    %dma_start3A_118 = tpu.memref_slice %arg10[%dma_start3A_117] : memref<768xi32, #tpu.memory_space<vmem>> -> memref<128xi32, #tpu.memory_space<vmem>>
    %dma_start3A_119 = arith.constant 0 : i32
    %dma_start3A_120 = arith.constant 0 : i32
    %dma_start3A_121 = tpu.memref_slice %arg2[%dma_start3A_119, %dma_start3A_120] : memref<768x128xf32, #tpu.memory_space<hbm>> -> memref<768x128xf32, #tpu.memory_space<hbm>>
    %dma_start3A_122 = tpu.memref_slice %arg16[%dma_start3A_112] : memref<2x!tpu.dma_semaphore, #tpu.memory_space<semaphore_mem>> -> memref<1x!tpu.dma_semaphore, #tpu.memory_space<semaphore_mem>>
    %dma_start3A_123 = tpu.memref_squeeze %dma_start3A_122 : memref<1x!tpu.dma_semaphore, #tpu.memory_space<semaphore_mem>> -> memref<!tpu.dma_semaphore, #tpu.memory_space<semaphore_mem>>
    tpu.enqueue_indirect_dma source(%dma_start3A_121 : memref<768x128xf32, #tpu.memory_space<hbm>>) target(%dma_start3A_116 : memref<128x128xf32, #tpu.memory_space<vmem>>) offsets(%dma_start3A_118 : memref<128xi32, #tpu.memory_space<vmem>>) semaphore(%dma_start3A_123 : memref<!tpu.dma_semaphore, #tpu.memory_space<semaphore_mem>>)
    %dma_start3A_124 = arith.constant 0 : i32
    %dma_start3A_125 = arith.constant 0 : i32
    %dma_start3A_126 = arith.constant 0 : i32
    %dma_start3A_127 = arith.constant 0 : i32
    %dma_start3A_128 = tpu.memref_slice %arg13[%dma_start3A_124, %dma_start3A_126, %dma_start3A_127] : memref<2x128x128xf32, #tpu.memory_space<vmem>> -> memref<1x128x128xf32, #tpu.memory_space<vmem>>
    %dma_start3A_129 = tpu.memref_squeeze %dma_start3A_128 : memref<1x128x128xf32, #tpu.memory_space<vmem>> -> memref<128x128xf32, #tpu.memory_space<vmem>>
    %dma_start3A_130 = arith.constant 256 : i32
    %dma_start3A_131 = tpu.memref_slice %arg11[%dma_start3A_130] : memref<768xi32, #tpu.memory_space<vmem>> -> memref<128xi32, #tpu.memory_space<vmem>>
    %dma_start3A_132 = arith.constant 0 : i32
    %dma_start3A_133 = arith.constant 0 : i32
    %dma_start3A_134 = tpu.memref_slice %arg3[%dma_start3A_132, %dma_start3A_133] : memref<147456x128xf32, #tpu.memory_space<hbm>> -> memref<147456x128xf32, #tpu.memory_space<hbm>>
    %dma_start3A_135 = tpu.memref_slice %arg17[%dma_start3A_125] : memref<2x!tpu.dma_semaphore, #tpu.memory_space<semaphore_mem>> -> memref<1x!tpu.dma_semaphore, #tpu.memory_space<semaphore_mem>>
    %dma_start3A_136 = tpu.memref_squeeze %dma_start3A_135 : memref<1x!tpu.dma_semaphore, #tpu.memory_space<semaphore_mem>> -> memref<!tpu.dma_semaphore, #tpu.memory_space<semaphore_mem>>
    tpu.enqueue_indirect_dma source(%dma_start3A_134 : memref<147456x128xf32, #tpu.memory_space<hbm>>) target(%dma_start3A_129 : memref<128x128xf32, #tpu.memory_space<vmem>>) offsets(%dma_start3A_131 : memref<128xi32, #tpu.memory_space<vmem>>) semaphore(%dma_start3A_136 : memref<!tpu.dma_semaphore, #tpu.memory_space<semaphore_mem>>)
    %scan3A_137 = arith.constant 0 : i32
    %scan3A_138 = arith.constant 0 : i32
    %scan3A_139 = arith.constant 32 : i32
    %scan3A_140 = arith.addi %scan3A_138, %scan3A_139 : i32
    %scan3A_141 = arith.constant 1 : i32
    scf.for %scan3A_403 = %scan3A_138 to %scan3A_140 step %scan3A_141  : i32 {
      %mul3A_404 = arith.constant 16 : i32
      %mul3A_405 = arith.muli %scan3A_403, %mul3A_404 : i32
      %add3A_406 = arith.constant 512 : i32
      %add3A_407 = arith.addi %add3A_406, %mul3A_405 : i32
      %iota3A = tpu.iota {dimensions = array<i32: 0>} : vector<16xi32>
      %add3A_408 = vector.broadcast %add3A_407 : i32 to vector<16xi32>
      %add3A_409 = arith.addi %add3A_408, %iota3A : vector<16xi32>
      %shift_right_arithmetic3A = arith.constant 2 : i32
      %shift_right_arithmetic3A_410 = vector.broadcast %shift_right_arithmetic3A : i32 to vector<16xi32>
      %shift_right_arithmetic3A_411 = arith.shrsi %add3A_409, %shift_right_arithmetic3A_410 : vector<16xi32>
      %gather3A = tpu.vector_load_idx %arg10[%shift_right_arithmetic3A_411] : memref<768xi32, #tpu.memory_space<vmem>>[vector<16xi32>], vector<16xi32>,
      %mul3A_412 = arith.constant 4 : i32
      %mul3A_413 = vector.broadcast %mul3A_412 : i32 to vector<16xi32>
      %mul3A_414 = arith.muli %gather3A, %mul3A_413 : vector<16xi32>
      %and3A = arith.constant 3 : i32
      %and3A_415 = vector.broadcast %and3A : i32 to vector<16xi32>
      %and3A_416 = arith.andi %add3A_409, %and3A_415 : vector<16xi32>
      %add3A_417 = arith.addi %mul3A_414, %and3A_416 : vector<16xi32>
      %gather3A_418 = tpu.vector_load_idx %arg14[%add3A_417] : memref<3072xf32, #tpu.memory_space<vmem>>[vector<16xi32>], vector<16xf32>,
      %mul3A_419 = arith.constant 16 : i32
      %mul3A_420 = arith.muli %scan3A_403, %mul3A_419 : i32
      %swap3A = arith.index_cast %mul3A_420 : i32 to index
      %swap3A_421 = tpu.vector_load %arg15[%swap3A] {strides = array<i32>} : memref<512xf32, #tpu.memory_space<vmem>>, vector<16xf32>,
      tpu.vector_store %arg15[%swap3A], %gather3A_418 {strides = array<i32>} : memref<512xf32, #tpu.memory_space<vmem>>, vector<16xf32>,
    }
    %scan3A_142 = arith.constant 32 : i32
    %mul3A_143 = arith.constant 4 : i32
    %mul3A_144 = arith.muli %add3A_110, %mul3A_143 : i32
    "tpu.region"() ({
      %run_scoped3A_403 = tpu.sem_alloc : memref<!tpu.dma_semaphore, #tpu.memory_space<semaphore_mem>>
      %dma_start3A_404 = tpu.memref_slice %arg9[%mul3A_144] : memref<98304xf32, #tpu.memory_space<hbm>> -> memref<512xf32, #tpu.memory_space<hbm>>
      %dma_start3A_405 = tpu.memref_slice %arg9[%mul3A_144] : memref<98304xf32, #tpu.memory_space<hbm>> -> memref<512xf32, #tpu.memory_space<hbm>>
      tpu.enqueue_dma source(%arg15 : memref<512xf32, #tpu.memory_space<vmem>>) target(%dma_start3A_405 : memref<512xf32, #tpu.memory_space<hbm>>) target_semaphore(%run_scoped3A_403 : memref<!tpu.dma_semaphore, #tpu.memory_space<semaphore_mem>>)
      %dma_wait3A_406 = tpu.memref_slice %arg9[%mul3A_144] : memref<98304xf32, #tpu.memory_space<hbm>> -> memref<512xf32, #tpu.memory_space<hbm>>
      %dma_wait3A_407 = tpu.memref_slice %arg9[%mul3A_144] : memref<98304xf32, #tpu.memory_space<hbm>> -> memref<512xf32, #tpu.memory_space<hbm>>
      tpu.wait_dma2 semaphore(%run_scoped3A_403 : memref<!tpu.dma_semaphore, #tpu.memory_space<semaphore_mem>>) src(%arg15 : memref<512xf32, #tpu.memory_space<vmem>>) dst(%dma_wait3A_407 : memref<512xf32, #tpu.memory_space<hbm>>)
      tpu.yield
    }) : () -> ()
    %dma_wait3A_145 = arith.constant 1 : i32
    %dma_wait3A_146 = arith.constant 1 : i32
    %dma_wait3A_147 = arith.constant 0 : i32
    %dma_wait3A_148 = arith.constant 0 : i32
    %dma_wait3A_149 = tpu.memref_slice %arg12[%dma_wait3A_145, %dma_wait3A_147, %dma_wait3A_148] : memref<2x128x128xf32, #tpu.memory_space<vmem>> -> memref<1x128x128xf32, #tpu.memory_space<vmem>>
    %dma_wait3A_150 = tpu.memref_squeeze %dma_wait3A_149 : memref<1x128x128xf32, #tpu.memory_space<vmem>> -> memref<128x128xf32, #tpu.memory_space<vmem>>
    %dma_wait3A_151 = arith.constant 128 : i32
    %dma_wait3A_152 = tpu.memref_slice %arg10[%dma_wait3A_151] : memref<768xi32, #tpu.memory_space<vmem>> -> memref<128xi32, #tpu.memory_space<vmem>>
    %dma_wait3A_153 = arith.constant 0 : i32
    %dma_wait3A_154 = arith.constant 0 : i32
    %dma_wait3A_155 = tpu.memref_slice %arg2[%dma_wait3A_153, %dma_wait3A_154] : memref<768x128xf32, #tpu.memory_space<hbm>> -> memref<768x128xf32, #tpu.memory_space<hbm>>
    %dma_wait3A_156 = tpu.memref_slice %arg16[%dma_wait3A_146] : memref<2x!tpu.dma_semaphore, #tpu.memory_space<semaphore_mem>> -> memref<1x!tpu.dma_semaphore, #tpu.memory_space<semaphore_mem>>
    %dma_wait3A_157 = tpu.memref_squeeze %dma_wait3A_156 : memref<1x!tpu.dma_semaphore, #tpu.memory_space<semaphore_mem>> -> memref<!tpu.dma_semaphore, #tpu.memory_space<semaphore_mem>>
    tpu.wait_indirect_dma semaphore(%dma_wait3A_157 : memref<!tpu.dma_semaphore, #tpu.memory_space<semaphore_mem>>) src(%dma_wait3A_155 : memref<768x128xf32, #tpu.memory_space<hbm>>) dst(%dma_wait3A_150 : memref<128x128xf32, #tpu.memory_space<vmem>>)
    %dma_wait3A_158 = arith.constant 1 : i32
    %dma_wait3A_159 = arith.constant 1 : i32
    %dma_wait3A_160 = arith.constant 0 : i32
    %dma_wait3A_161 = arith.constant 0 : i32
    %dma_wait3A_162 = tpu.memref_slice %arg13[%dma_wait3A_158, %dma_wait3A_160, %dma_wait3A_161] : memref<2x128x128xf32, #tpu.memory_space<vmem>> -> memref<1x128x128xf32, #tpu.memory_space<vmem>>
    %dma_wait3A_163 = tpu.memref_squeeze %dma_wait3A_162 : memref<1x128x128xf32, #tpu.memory_space<vmem>> -> memref<128x128xf32, #tpu.memory_space<vmem>>
    %dma_wait3A_164 = arith.constant 128 : i32
    %dma_wait3A_165 = tpu.memref_slice %arg11[%dma_wait3A_164] : memref<768xi32, #tpu.memory_space<vmem>> -> memref<128xi32, #tpu.memory_space<vmem>>
    %dma_wait3A_166 = arith.constant 0 : i32
    %dma_wait3A_167 = arith.constant 0 : i32
    %dma_wait3A_168 = tpu.memref_slice %arg3[%dma_wait3A_166, %dma_wait3A_167] : memref<147456x128xf32, #tpu.memory_space<hbm>> -> memref<147456x128xf32, #tpu.memory_space<hbm>>
    %dma_wait3A_169 = tpu.memref_slice %arg17[%dma_wait3A_159] : memref<2x!tpu.dma_semaphore, #tpu.memory_space<semaphore_mem>> -> memref<1x!tpu.dma_semaphore, #tpu.memory_space<semaphore_mem>>
    %dma_wait3A_170 = tpu.memref_squeeze %dma_wait3A_169 : memref<1x!tpu.dma_semaphore, #tpu.memory_space<semaphore_mem>> -> memref<!tpu.dma_semaphore, #tpu.memory_space<semaphore_mem>>
    tpu.wait_indirect_dma semaphore(%dma_wait3A_170 : memref<!tpu.dma_semaphore, #tpu.memory_space<semaphore_mem>>) src(%dma_wait3A_168 : memref<147456x128xf32, #tpu.memory_space<hbm>>) dst(%dma_wait3A_163 : memref<128x128xf32, #tpu.memory_space<vmem>>)
    %run_scoped3A_171 = arith.constant 1 : i32
    "tpu.region"() ({
      %run_scoped3A_403 = tpu.sem_alloc : memref<!tpu.dma_semaphore, #tpu.memory_space<semaphore_mem>>
      %dma_start3A_404 = arith.constant 0 : i32
      %dma_start3A_405 = arith.constant 0 : i32
      %dma_start3A_406 = tpu.memref_slice %arg12[%run_scoped3A_171, %dma_start3A_404, %dma_start3A_405] : memref<2x128x128xf32, #tpu.memory_space<vmem>> -> memref<1x128x128xf32, #tpu.memory_space<vmem>>
      %dma_start3A_407 = tpu.memref_squeeze %dma_start3A_406 : memref<1x128x128xf32, #tpu.memory_space<vmem>> -> memref<128x128xf32, #tpu.memory_space<vmem>>
      %dma_start3A_408 = arith.constant 0 : i32
      %dma_start3A_409 = tpu.memref_slice %arg7[%add3A_110, %dma_start3A_408] : memref<24576x128xf32, #tpu.memory_space<hbm>> -> memref<128x128xf32, #tpu.memory_space<hbm>>
      %dma_start3A_410 = arith.constant 0 : i32
      %dma_start3A_411 = tpu.memref_slice %arg7[%add3A_110, %dma_start3A_410] : memref<24576x128xf32, #tpu.memory_space<hbm>> -> memref<128x128xf32, #tpu.memory_space<hbm>>
      %dma_start3A_412 = arith.constant 0 : i32
      %dma_start3A_413 = arith.constant 0 : i32
      %dma_start3A_414 = tpu.memref_slice %arg12[%run_scoped3A_171, %dma_start3A_412, %dma_start3A_413] : memref<2x128x128xf32, #tpu.memory_space<vmem>> -> memref<1x128x128xf32, #tpu.memory_space<vmem>>
      %dma_start3A_415 = tpu.memref_squeeze %dma_start3A_414 : memref<1x128x128xf32, #tpu.memory_space<vmem>> -> memref<128x128xf32, #tpu.memory_space<vmem>>
      tpu.enqueue_dma source(%dma_start3A_415 : memref<128x128xf32, #tpu.memory_space<vmem>>) target(%dma_start3A_411 : memref<128x128xf32, #tpu.memory_space<hbm>>) target_semaphore(%run_scoped3A_403 : memref<!tpu.dma_semaphore, #tpu.memory_space<semaphore_mem>>)
      %dma_wait3A_416 = arith.constant 0 : i32
      %dma_wait3A_417 = arith.constant 0 : i32
      %dma_wait3A_418 = tpu.memref_slice %arg12[%run_scoped3A_171, %dma_wait3A_416, %dma_wait3A_417] : memref<2x128x128xf32, #tpu.memory_space<vmem>> -> memref<1x128x128xf32, #tpu.memory_space<vmem>>
      %dma_wait3A_419 = tpu.memref_squeeze %dma_wait3A_418 : memref<1x128x128xf32, #tpu.memory_space<vmem>> -> memref<128x128xf32, #tpu.memory_space<vmem>>
      %dma_wait3A_420 = arith.constant 0 : i32
      %dma_wait3A_421 = tpu.memref_slice %arg7[%add3A_110, %dma_wait3A_420] : memref<24576x128xf32, #tpu.memory_space<hbm>> -> memref<128x128xf32, #tpu.memory_space<hbm>>
      %dma_wait3A_422 = arith.constant 0 : i32
      %dma_wait3A_423 = tpu.memref_slice %arg7[%add3A_110, %dma_wait3A_422] : memref<24576x128xf32, #tpu.memory_space<hbm>> -> memref<128x128xf32, #tpu.memory_space<hbm>>
      %dma_wait3A_424 = arith.constant 0 : i32
      %dma_wait3A_425 = arith.constant 0 : i32
      %dma_wait3A_426 = tpu.memref_slice %arg12[%run_scoped3A_171, %dma_wait3A_424, %dma_wait3A_425] : memref<2x128x128xf32, #tpu.memory_space<vmem>> -> memref<1x128x128xf32, #tpu.memory_space<vmem>>
      %dma_wait3A_427 = tpu.memref_squeeze %dma_wait3A_426 : memref<1x128x128xf32, #tpu.memory_space<vmem>> -> memref<128x128xf32, #tpu.memory_space<vmem>>
      tpu.wait_dma2 semaphore(%run_scoped3A_403 : memref<!tpu.dma_semaphore, #tpu.memory_space<semaphore_mem>>) src(%dma_wait3A_427 : memref<128x128xf32, #tpu.memory_space<vmem>>) dst(%dma_wait3A_423 : memref<128x128xf32, #tpu.memory_space<hbm>>)
      tpu.yield
    }) : () -> ()
    %run_scoped3A_172 = arith.constant 1 : i32
    "tpu.region"() ({
      %run_scoped3A_403 = tpu.sem_alloc : memref<!tpu.dma_semaphore, #tpu.memory_space<semaphore_mem>>
      %dma_start3A_404 = arith.constant 0 : i32
      %dma_start3A_405 = arith.constant 0 : i32
      %dma_start3A_406 = tpu.memref_slice %arg13[%run_scoped3A_172, %dma_start3A_404, %dma_start3A_405] : memref<2x128x128xf32, #tpu.memory_space<vmem>> -> memref<1x128x128xf32, #tpu.memory_space<vmem>>
      %dma_start3A_407 = tpu.memref_squeeze %dma_start3A_406 : memref<1x128x128xf32, #tpu.memory_space<vmem>> -> memref<128x128xf32, #tpu.memory_space<vmem>>
      %dma_start3A_408 = arith.constant 0 : i32
      %dma_start3A_409 = tpu.memref_slice %arg8[%add3A_110, %dma_start3A_408] : memref<24576x128xf32, #tpu.memory_space<hbm>> -> memref<128x128xf32, #tpu.memory_space<hbm>>
      %dma_start3A_410 = arith.constant 0 : i32
      %dma_start3A_411 = tpu.memref_slice %arg8[%add3A_110, %dma_start3A_410] : memref<24576x128xf32, #tpu.memory_space<hbm>> -> memref<128x128xf32, #tpu.memory_space<hbm>>
      %dma_start3A_412 = arith.constant 0 : i32
      %dma_start3A_413 = arith.constant 0 : i32
      %dma_start3A_414 = tpu.memref_slice %arg13[%run_scoped3A_172, %dma_start3A_412, %dma_start3A_413] : memref<2x128x128xf32, #tpu.memory_space<vmem>> -> memref<1x128x128xf32, #tpu.memory_space<vmem>>
      %dma_start3A_415 = tpu.memref_squeeze %dma_start3A_414 : memref<1x128x128xf32, #tpu.memory_space<vmem>> -> memref<128x128xf32, #tpu.memory_space<vmem>>
      tpu.enqueue_dma source(%dma_start3A_415 : memref<128x128xf32, #tpu.memory_space<vmem>>) target(%dma_start3A_411 : memref<128x128xf32, #tpu.memory_space<hbm>>) target_semaphore(%run_scoped3A_403 : memref<!tpu.dma_semaphore, #tpu.memory_space<semaphore_mem>>)
      %dma_wait3A_416 = arith.constant 0 : i32
      %dma_wait3A_417 = arith.constant 0 : i32
      %dma_wait3A_418 = tpu.memref_slice %arg13[%run_scoped3A_172, %dma_wait3A_416, %dma_wait3A_417] : memref<2x128x128xf32, #tpu.memory_space<vmem>> -> memref<1x128x128xf32, #tpu.memory_space<vmem>>
      %dma_wait3A_419 = tpu.memref_squeeze %dma_wait3A_418 : memref<1x128x128xf32, #tpu.memory_space<vmem>> -> memref<128x128xf32, #tpu.memory_space<vmem>>
      %dma_wait3A_420 = arith.constant 0 : i32
      %dma_wait3A_421 = tpu.memref_slice %arg8[%add3A_110, %dma_wait3A_420] : memref<24576x128xf32, #tpu.memory_space<hbm>> -> memref<128x128xf32, #tpu.memory_space<hbm>>
      %dma_wait3A_422 = arith.constant 0 : i32
      %dma_wait3A_423 = tpu.memref_slice %arg8[%add3A_110, %dma_wait3A_422] : memref<24576x128xf32, #tpu.memory_space<hbm>> -> memref<128x128xf32, #tpu.memory_space<hbm>>
      %dma_wait3A_424 = arith.constant 0 : i32
      %dma_wait3A_425 = arith.constant 0 : i32
      %dma_wait3A_426 = tpu.memref_slice %arg13[%run_scoped3A_172, %dma_wait3A_424, %dma_wait3A_425] : memref<2x128x128xf32, #tpu.memory_space<vmem>> -> memref<1x128x128xf32, #tpu.memory_space<vmem>>
      %dma_wait3A_427 = tpu.memref_squeeze %dma_wait3A_426 : memref<1x128x128xf32, #tpu.memory_space<vmem>> -> memref<128x128xf32, #tpu.memory_space<vmem>>
      tpu.wait_dma2 semaphore(%run_scoped3A_403 : memref<!tpu.dma_semaphore, #tpu.memory_space<semaphore_mem>>) src(%dma_wait3A_427 : memref<128x128xf32, #tpu.memory_space<vmem>>) dst(%dma_wait3A_423 : memref<128x128xf32, #tpu.memory_space<hbm>>)
      tpu.yield
    }) : () -> ()
    %add3A_173 = arith.constant 256 : i32
    %add3A_174 = arith.addi %mul3A_2, %add3A_173 : i32
    %dma_start3A_175 = arith.constant 1 : i32
    %dma_start3A_176 = arith.constant 1 : i32
    %dma_start3A_177 = arith.constant 0 : i32
    %dma_start3A_178 = arith.constant 0 : i32
    %dma_start3A_179 = tpu.memref_slice %arg12[%dma_start3A_175, %dma_start3A_177, %dma_start3A_178] : memref<2x128x128xf32, #tpu.memory_space<vmem>> -> memref<1x128x128xf32, #tpu.memory_space<vmem>>
    %dma_start3A_180 = tpu.memref_squeeze %dma_start3A_179 : memref<1x128x128xf32, #tpu.memory_space<vmem>> -> memref<128x128xf32, #tpu.memory_space<vmem>>
    %dma_start3A_181 = arith.constant 384 : i32
    %dma_start3A_182 = tpu.memref_slice %arg10[%dma_start3A_181] : memref<768xi32, #tpu.memory_space<vmem>> -> memref<128xi32, #tpu.memory_space<vmem>>
    %dma_start3A_183 = arith.constant 0 : i32
    %dma_start3A_184 = arith.constant 0 : i32
    %dma_start3A_185 = tpu.memref_slice %arg2[%dma_start3A_183, %dma_start3A_184] : memref<768x128xf32, #tpu.memory_space<hbm>> -> memref<768x128xf32, #tpu.memory_space<hbm>>
    %dma_start3A_186 = tpu.memref_slice %arg16[%dma_start3A_176] : memref<2x!tpu.dma_semaphore, #tpu.memory_space<semaphore_mem>> -> memref<1x!tpu.dma_semaphore, #tpu.memory_space<semaphore_mem>>
    %dma_start3A_187 = tpu.memref_squeeze %dma_start3A_186 : memref<1x!tpu.dma_semaphore, #tpu.memory_space<semaphore_mem>> -> memref<!tpu.dma_semaphore, #tpu.memory_space<semaphore_mem>>
    tpu.enqueue_indirect_dma source(%dma_start3A_185 : memref<768x128xf32, #tpu.memory_space<hbm>>) target(%dma_start3A_180 : memref<128x128xf32, #tpu.memory_space<vmem>>) offsets(%dma_start3A_182 : memref<128xi32, #tpu.memory_space<vmem>>) semaphore(%dma_start3A_187 : memref<!tpu.dma_semaphore, #tpu.memory_space<semaphore_mem>>)
    %dma_start3A_188 = arith.constant 1 : i32
    %dma_start3A_189 = arith.constant 1 : i32
    %dma_start3A_190 = arith.constant 0 : i32
    %dma_start3A_191 = arith.constant 0 : i32
    %dma_start3A_192 = tpu.memref_slice %arg13[%dma_start3A_188, %dma_start3A_190, %dma_start3A_191] : memref<2x128x128xf32, #tpu.memory_space<vmem>> -> memref<1x128x128xf32, #tpu.memory_space<vmem>>
    %dma_start3A_193 = tpu.memref_squeeze %dma_start3A_192 : memref<1x128x128xf32, #tpu.memory_space<vmem>> -> memref<128x128xf32, #tpu.memory_space<vmem>>
    %dma_start3A_194 = arith.constant 384 : i32
    %dma_start3A_195 = tpu.memref_slice %arg11[%dma_start3A_194] : memref<768xi32, #tpu.memory_space<vmem>> -> memref<128xi32, #tpu.memory_space<vmem>>
    %dma_start3A_196 = arith.constant 0 : i32
    %dma_start3A_197 = arith.constant 0 : i32
    %dma_start3A_198 = tpu.memref_slice %arg3[%dma_start3A_196, %dma_start3A_197] : memref<147456x128xf32, #tpu.memory_space<hbm>> -> memref<147456x128xf32, #tpu.memory_space<hbm>>
    %dma_start3A_199 = tpu.memref_slice %arg17[%dma_start3A_189] : memref<2x!tpu.dma_semaphore, #tpu.memory_space<semaphore_mem>> -> memref<1x!tpu.dma_semaphore, #tpu.memory_space<semaphore_mem>>
    %dma_start3A_200 = tpu.memref_squeeze %dma_start3A_199 : memref<1x!tpu.dma_semaphore, #tpu.memory_space<semaphore_mem>> -> memref<!tpu.dma_semaphore, #tpu.memory_space<semaphore_mem>>
    tpu.enqueue_indirect_dma source(%dma_start3A_198 : memref<147456x128xf32, #tpu.memory_space<hbm>>) target(%dma_start3A_193 : memref<128x128xf32, #tpu.memory_space<vmem>>) offsets(%dma_start3A_195 : memref<128xi32, #tpu.memory_space<vmem>>) semaphore(%dma_start3A_200 : memref<!tpu.dma_semaphore, #tpu.memory_space<semaphore_mem>>)
    %scan3A_201 = arith.constant 0 : i32
    %scan3A_202 = arith.constant 0 : i32
    %scan3A_203 = arith.constant 32 : i32
    %scan3A_204 = arith.addi %scan3A_202, %scan3A_203 : i32
    %scan3A_205 = arith.constant 1 : i32
    scf.for %scan3A_403 = %scan3A_202 to %scan3A_204 step %scan3A_205  : i32 {
      %mul3A_404 = arith.constant 16 : i32
      %mul3A_405 = arith.muli %scan3A_403, %mul3A_404 : i32
      %add3A_406 = arith.constant 1024 : i32
      %add3A_407 = arith.addi %add3A_406, %mul3A_405 : i32
      %iota3A = tpu.iota {dimensions = array<i32: 0>} : vector<16xi32>
      %add3A_408 = vector.broadcast %add3A_407 : i32 to vector<16xi32>
      %add3A_409 = arith.addi %add3A_408, %iota3A : vector<16xi32>
      %shift_right_arithmetic3A = arith.constant 2 : i32
      %shift_right_arithmetic3A_410 = vector.broadcast %shift_right_arithmetic3A : i32 to vector<16xi32>
      %shift_right_arithmetic3A_411 = arith.shrsi %add3A_409, %shift_right_arithmetic3A_410 : vector<16xi32>
      %gather3A = tpu.vector_load_idx %arg10[%shift_right_arithmetic3A_411] : memref<768xi32, #tpu.memory_space<vmem>>[vector<16xi32>], vector<16xi32>,
      %mul3A_412 = arith.constant 4 : i32
      %mul3A_413 = vector.broadcast %mul3A_412 : i32 to vector<16xi32>
      %mul3A_414 = arith.muli %gather3A, %mul3A_413 : vector<16xi32>
      %and3A = arith.constant 3 : i32
      %and3A_415 = vector.broadcast %and3A : i32 to vector<16xi32>
      %and3A_416 = arith.andi %add3A_409, %and3A_415 : vector<16xi32>
      %add3A_417 = arith.addi %mul3A_414, %and3A_416 : vector<16xi32>
      %gather3A_418 = tpu.vector_load_idx %arg14[%add3A_417] : memref<3072xf32, #tpu.memory_space<vmem>>[vector<16xi32>], vector<16xf32>,
      %mul3A_419 = arith.constant 16 : i32
      %mul3A_420 = arith.muli %scan3A_403, %mul3A_419 : i32
      %swap3A = arith.index_cast %mul3A_420 : i32 to index
      %swap3A_421 = tpu.vector_load %arg15[%swap3A] {strides = array<i32>} : memref<512xf32, #tpu.memory_space<vmem>>, vector<16xf32>,
      tpu.vector_store %arg15[%swap3A], %gather3A_418 {strides = array<i32>} : memref<512xf32, #tpu.memory_space<vmem>>, vector<16xf32>,
    }
    %scan3A_206 = arith.constant 32 : i32
    %mul3A_207 = arith.constant 4 : i32
    %mul3A_208 = arith.muli %add3A_174, %mul3A_207 : i32
    "tpu.region"() ({
      %run_scoped3A_403 = tpu.sem_alloc : memref<!tpu.dma_semaphore, #tpu.memory_space<semaphore_mem>>
      %dma_start3A_404 = tpu.memref_slice %arg9[%mul3A_208] : memref<98304xf32, #tpu.memory_space<hbm>> -> memref<512xf32, #tpu.memory_space<hbm>>
      %dma_start3A_405 = tpu.memref_slice %arg9[%mul3A_208] : memref<98304xf32, #tpu.memory_space<hbm>> -> memref<512xf32, #tpu.memory_space<hbm>>
      tpu.enqueue_dma source(%arg15 : memref<512xf32, #tpu.memory_space<vmem>>) target(%dma_start3A_405 : memref<512xf32, #tpu.memory_space<hbm>>) target_semaphore(%run_scoped3A_403 : memref<!tpu.dma_semaphore, #tpu.memory_space<semaphore_mem>>)
      %dma_wait3A_406 = tpu.memref_slice %arg9[%mul3A_208] : memref<98304xf32, #tpu.memory_space<hbm>> -> memref<512xf32, #tpu.memory_space<hbm>>
      %dma_wait3A_407 = tpu.memref_slice %arg9[%mul3A_208] : memref<98304xf32, #tpu.memory_space<hbm>> -> memref<512xf32, #tpu.memory_space<hbm>>
      tpu.wait_dma2 semaphore(%run_scoped3A_403 : memref<!tpu.dma_semaphore, #tpu.memory_space<semaphore_mem>>) src(%arg15 : memref<512xf32, #tpu.memory_space<vmem>>) dst(%dma_wait3A_407 : memref<512xf32, #tpu.memory_space<hbm>>)
      tpu.yield
    }) : () -> ()
    %dma_wait3A_209 = arith.constant 0 : i32
    %dma_wait3A_210 = arith.constant 0 : i32
    %dma_wait3A_211 = arith.constant 0 : i32
    %dma_wait3A_212 = arith.constant 0 : i32
    %dma_wait3A_213 = tpu.memref_slice %arg12[%dma_wait3A_209, %dma_wait3A_211, %dma_wait3A_212] : memref<2x128x128xf32, #tpu.memory_space<vmem>> -> memref<1x128x128xf32, #tpu.memory_space<vmem>>
    %dma_wait3A_214 = tpu.memref_squeeze %dma_wait3A_213 : memref<1x128x128xf32, #tpu.memory_space<vmem>> -> memref<128x128xf32, #tpu.memory_space<vmem>>
    %dma_wait3A_215 = arith.constant 256 : i32
    %dma_wait3A_216 = tpu.memref_slice %arg10[%dma_wait3A_215] : memref<768xi32, #tpu.memory_space<vmem>> -> memref<128xi32, #tpu.memory_space<vmem>>
    %dma_wait3A_217 = arith.constant 0 : i32
    %dma_wait3A_218 = arith.constant 0 : i32
    %dma_wait3A_219 = tpu.memref_slice %arg2[%dma_wait3A_217, %dma_wait3A_218] : memref<768x128xf32, #tpu.memory_space<hbm>> -> memref<768x128xf32, #tpu.memory_space<hbm>>
    %dma_wait3A_220 = tpu.memref_slice %arg16[%dma_wait3A_210] : memref<2x!tpu.dma_semaphore, #tpu.memory_space<semaphore_mem>> -> memref<1x!tpu.dma_semaphore, #tpu.memory_space<semaphore_mem>>
    %dma_wait3A_221 = tpu.memref_squeeze %dma_wait3A_220 : memref<1x!tpu.dma_semaphore, #tpu.memory_space<semaphore_mem>> -> memref<!tpu.dma_semaphore, #tpu.memory_space<semaphore_mem>>
    tpu.wait_indirect_dma semaphore(%dma_wait3A_221 : memref<!tpu.dma_semaphore, #tpu.memory_space<semaphore_mem>>) src(%dma_wait3A_219 : memref<768x128xf32, #tpu.memory_space<hbm>>) dst(%dma_wait3A_214 : memref<128x128xf32, #tpu.memory_space<vmem>>)
    %dma_wait3A_222 = arith.constant 0 : i32
    %dma_wait3A_223 = arith.constant 0 : i32
    %dma_wait3A_224 = arith.constant 0 : i32
    %dma_wait3A_225 = arith.constant 0 : i32
    %dma_wait3A_226 = tpu.memref_slice %arg13[%dma_wait3A_222, %dma_wait3A_224, %dma_wait3A_225] : memref<2x128x128xf32, #tpu.memory_space<vmem>> -> memref<1x128x128xf32, #tpu.memory_space<vmem>>
    %dma_wait3A_227 = tpu.memref_squeeze %dma_wait3A_226 : memref<1x128x128xf32, #tpu.memory_space<vmem>> -> memref<128x128xf32, #tpu.memory_space<vmem>>
    %dma_wait3A_228 = arith.constant 256 : i32
    %dma_wait3A_229 = tpu.memref_slice %arg11[%dma_wait3A_228] : memref<768xi32, #tpu.memory_space<vmem>> -> memref<128xi32, #tpu.memory_space<vmem>>
    %dma_wait3A_230 = arith.constant 0 : i32
    %dma_wait3A_231 = arith.constant 0 : i32
    %dma_wait3A_232 = tpu.memref_slice %arg3[%dma_wait3A_230, %dma_wait3A_231] : memref<147456x128xf32, #tpu.memory_space<hbm>> -> memref<147456x128xf32, #tpu.memory_space<hbm>>
    %dma_wait3A_233 = tpu.memref_slice %arg17[%dma_wait3A_223] : memref<2x!tpu.dma_semaphore, #tpu.memory_space<semaphore_mem>> -> memref<1x!tpu.dma_semaphore, #tpu.memory_space<semaphore_mem>>
    %dma_wait3A_234 = tpu.memref_squeeze %dma_wait3A_233 : memref<1x!tpu.dma_semaphore, #tpu.memory_space<semaphore_mem>> -> memref<!tpu.dma_semaphore, #tpu.memory_space<semaphore_mem>>
    tpu.wait_indirect_dma semaphore(%dma_wait3A_234 : memref<!tpu.dma_semaphore, #tpu.memory_space<semaphore_mem>>) src(%dma_wait3A_232 : memref<147456x128xf32, #tpu.memory_space<hbm>>) dst(%dma_wait3A_227 : memref<128x128xf32, #tpu.memory_space<vmem>>)
    %run_scoped3A_235 = arith.constant 0 : i32
    "tpu.region"() ({
      %run_scoped3A_403 = tpu.sem_alloc : memref<!tpu.dma_semaphore, #tpu.memory_space<semaphore_mem>>
      %dma_start3A_404 = arith.constant 0 : i32
      %dma_start3A_405 = arith.constant 0 : i32
      %dma_start3A_406 = tpu.memref_slice %arg12[%run_scoped3A_235, %dma_start3A_404, %dma_start3A_405] : memref<2x128x128xf32, #tpu.memory_space<vmem>> -> memref<1x128x128xf32, #tpu.memory_space<vmem>>
      %dma_start3A_407 = tpu.memref_squeeze %dma_start3A_406 : memref<1x128x128xf32, #tpu.memory_space<vmem>> -> memref<128x128xf32, #tpu.memory_space<vmem>>
      %dma_start3A_408 = arith.constant 0 : i32
      %dma_start3A_409 = tpu.memref_slice %arg7[%add3A_174, %dma_start3A_408] : memref<24576x128xf32, #tpu.memory_space<hbm>> -> memref<128x128xf32, #tpu.memory_space<hbm>>
      %dma_start3A_410 = arith.constant 0 : i32
      %dma_start3A_411 = tpu.memref_slice %arg7[%add3A_174, %dma_start3A_410] : memref<24576x128xf32, #tpu.memory_space<hbm>> -> memref<128x128xf32, #tpu.memory_space<hbm>>
      %dma_start3A_412 = arith.constant 0 : i32
      %dma_start3A_413 = arith.constant 0 : i32
      %dma_start3A_414 = tpu.memref_slice %arg12[%run_scoped3A_235, %dma_start3A_412, %dma_start3A_413] : memref<2x128x128xf32, #tpu.memory_space<vmem>> -> memref<1x128x128xf32, #tpu.memory_space<vmem>>
      %dma_start3A_415 = tpu.memref_squeeze %dma_start3A_414 : memref<1x128x128xf32, #tpu.memory_space<vmem>> -> memref<128x128xf32, #tpu.memory_space<vmem>>
      tpu.enqueue_dma source(%dma_start3A_415 : memref<128x128xf32, #tpu.memory_space<vmem>>) target(%dma_start3A_411 : memref<128x128xf32, #tpu.memory_space<hbm>>) target_semaphore(%run_scoped3A_403 : memref<!tpu.dma_semaphore, #tpu.memory_space<semaphore_mem>>)
      %dma_wait3A_416 = arith.constant 0 : i32
      %dma_wait3A_417 = arith.constant 0 : i32
      %dma_wait3A_418 = tpu.memref_slice %arg12[%run_scoped3A_235, %dma_wait3A_416, %dma_wait3A_417] : memref<2x128x128xf32, #tpu.memory_space<vmem>> -> memref<1x128x128xf32, #tpu.memory_space<vmem>>
      %dma_wait3A_419 = tpu.memref_squeeze %dma_wait3A_418 : memref<1x128x128xf32, #tpu.memory_space<vmem>> -> memref<128x128xf32, #tpu.memory_space<vmem>>
      %dma_wait3A_420 = arith.constant 0 : i32
      %dma_wait3A_421 = tpu.memref_slice %arg7[%add3A_174, %dma_wait3A_420] : memref<24576x128xf32, #tpu.memory_space<hbm>> -> memref<128x128xf32, #tpu.memory_space<hbm>>
      %dma_wait3A_422 = arith.constant 0 : i32
      %dma_wait3A_423 = tpu.memref_slice %arg7[%add3A_174, %dma_wait3A_422] : memref<24576x128xf32, #tpu.memory_space<hbm>> -> memref<128x128xf32, #tpu.memory_space<hbm>>
      %dma_wait3A_424 = arith.constant 0 : i32
      %dma_wait3A_425 = arith.constant 0 : i32
      %dma_wait3A_426 = tpu.memref_slice %arg12[%run_scoped3A_235, %dma_wait3A_424, %dma_wait3A_425] : memref<2x128x128xf32, #tpu.memory_space<vmem>> -> memref<1x128x128xf32, #tpu.memory_space<vmem>>
      %dma_wait3A_427 = tpu.memref_squeeze %dma_wait3A_426 : memref<1x128x128xf32, #tpu.memory_space<vmem>> -> memref<128x128xf32, #tpu.memory_space<vmem>>
      tpu.wait_dma2 semaphore(%run_scoped3A_403 : memref<!tpu.dma_semaphore, #tpu.memory_space<semaphore_mem>>) src(%dma_wait3A_427 : memref<128x128xf32, #tpu.memory_space<vmem>>) dst(%dma_wait3A_423 : memref<128x128xf32, #tpu.memory_space<hbm>>)
      tpu.yield
    }) : () -> ()
    %run_scoped3A_236 = arith.constant 0 : i32
    "tpu.region"() ({
      %run_scoped3A_403 = tpu.sem_alloc : memref<!tpu.dma_semaphore, #tpu.memory_space<semaphore_mem>>
      %dma_start3A_404 = arith.constant 0 : i32
      %dma_start3A_405 = arith.constant 0 : i32
      %dma_start3A_406 = tpu.memref_slice %arg13[%run_scoped3A_236, %dma_start3A_404, %dma_start3A_405] : memref<2x128x128xf32, #tpu.memory_space<vmem>> -> memref<1x128x128xf32, #tpu.memory_space<vmem>>
      %dma_start3A_407 = tpu.memref_squeeze %dma_start3A_406 : memref<1x128x128xf32, #tpu.memory_space<vmem>> -> memref<128x128xf32, #tpu.memory_space<vmem>>
      %dma_start3A_408 = arith.constant 0 : i32
      %dma_start3A_409 = tpu.memref_slice %arg8[%add3A_174, %dma_start3A_408] : memref<24576x128xf32, #tpu.memory_space<hbm>> -> memref<128x128xf32, #tpu.memory_space<hbm>>
      %dma_start3A_410 = arith.constant 0 : i32
      %dma_start3A_411 = tpu.memref_slice %arg8[%add3A_174, %dma_start3A_410] : memref<24576x128xf32, #tpu.memory_space<hbm>> -> memref<128x128xf32, #tpu.memory_space<hbm>>
      %dma_start3A_412 = arith.constant 0 : i32
      %dma_start3A_413 = arith.constant 0 : i32
      %dma_start3A_414 = tpu.memref_slice %arg13[%run_scoped3A_236, %dma_start3A_412, %dma_start3A_413] : memref<2x128x128xf32, #tpu.memory_space<vmem>> -> memref<1x128x128xf32, #tpu.memory_space<vmem>>
      %dma_start3A_415 = tpu.memref_squeeze %dma_start3A_414 : memref<1x128x128xf32, #tpu.memory_space<vmem>> -> memref<128x128xf32, #tpu.memory_space<vmem>>
      tpu.enqueue_dma source(%dma_start3A_415 : memref<128x128xf32, #tpu.memory_space<vmem>>) target(%dma_start3A_411 : memref<128x128xf32, #tpu.memory_space<hbm>>) target_semaphore(%run_scoped3A_403 : memref<!tpu.dma_semaphore, #tpu.memory_space<semaphore_mem>>)
      %dma_wait3A_416 = arith.constant 0 : i32
      %dma_wait3A_417 = arith.constant 0 : i32
      %dma_wait3A_418 = tpu.memref_slice %arg13[%run_scoped3A_236, %dma_wait3A_416, %dma_wait3A_417] : memref<2x128x128xf32, #tpu.memory_space<vmem>> -> memref<1x128x128xf32, #tpu.memory_space<vmem>>
      %dma_wait3A_419 = tpu.memref_squeeze %dma_wait3A_418 : memref<1x128x128xf32, #tpu.memory_space<vmem>> -> memref<128x128xf32, #tpu.memory_space<vmem>>
      %dma_wait3A_420 = arith.constant 0 : i32
      %dma_wait3A_421 = tpu.memref_slice %arg8[%add3A_174, %dma_wait3A_420] : memref<24576x128xf32, #tpu.memory_space<hbm>> -> memref<128x128xf32, #tpu.memory_space<hbm>>
      %dma_wait3A_422 = arith.constant 0 : i32
      %dma_wait3A_423 = tpu.memref_slice %arg8[%add3A_174, %dma_wait3A_422] : memref<24576x128xf32, #tpu.memory_space<hbm>> -> memref<128x128xf32, #tpu.memory_space<hbm>>
      %dma_wait3A_424 = arith.constant 0 : i32
      %dma_wait3A_425 = arith.constant 0 : i32
      %dma_wait3A_426 = tpu.memref_slice %arg13[%run_scoped3A_236, %dma_wait3A_424, %dma_wait3A_425] : memref<2x128x128xf32, #tpu.memory_space<vmem>> -> memref<1x128x128xf32, #tpu.memory_space<vmem>>
      %dma_wait3A_427 = tpu.memref_squeeze %dma_wait3A_426 : memref<1x128x128xf32, #tpu.memory_space<vmem>> -> memref<128x128xf32, #tpu.memory_space<vmem>>
      tpu.wait_dma2 semaphore(%run_scoped3A_403 : memref<!tpu.dma_semaphore, #tpu.memory_space<semaphore_mem>>) src(%dma_wait3A_427 : memref<128x128xf32, #tpu.memory_space<vmem>>) dst(%dma_wait3A_423 : memref<128x128xf32, #tpu.memory_space<hbm>>)
      tpu.yield
    }) : () -> ()
    %add3A_237 = arith.constant 384 : i32
    %add3A_238 = arith.addi %mul3A_2, %add3A_237 : i32
    %dma_start3A_239 = arith.constant 0 : i32
    %dma_start3A_240 = arith.constant 0 : i32
    %dma_start3A_241 = arith.constant 0 : i32
    %dma_start3A_242 = arith.constant 0 : i32
    %dma_start3A_243 = tpu.memref_slice %arg12[%dma_start3A_239, %dma_start3A_241, %dma_start3A_242] : memref<2x128x128xf32, #tpu.memory_space<vmem>> -> memref<1x128x128xf32, #tpu.memory_space<vmem>>
    %dma_start3A_244 = tpu.memref_squeeze %dma_start3A_243 : memref<1x128x128xf32, #tpu.memory_space<vmem>> -> memref<128x128xf32, #tpu.memory_space<vmem>>
    %dma_start3A_245 = arith.constant 512 : i32
    %dma_start3A_246 = tpu.memref_slice %arg10[%dma_start3A_245] : memref<768xi32, #tpu.memory_space<vmem>> -> memref<128xi32, #tpu.memory_space<vmem>>
    %dma_start3A_247 = arith.constant 0 : i32
    %dma_start3A_248 = arith.constant 0 : i32
    %dma_start3A_249 = tpu.memref_slice %arg2[%dma_start3A_247, %dma_start3A_248] : memref<768x128xf32, #tpu.memory_space<hbm>> -> memref<768x128xf32, #tpu.memory_space<hbm>>
    %dma_start3A_250 = tpu.memref_slice %arg16[%dma_start3A_240] : memref<2x!tpu.dma_semaphore, #tpu.memory_space<semaphore_mem>> -> memref<1x!tpu.dma_semaphore, #tpu.memory_space<semaphore_mem>>
    %dma_start3A_251 = tpu.memref_squeeze %dma_start3A_250 : memref<1x!tpu.dma_semaphore, #tpu.memory_space<semaphore_mem>> -> memref<!tpu.dma_semaphore, #tpu.memory_space<semaphore_mem>>
    tpu.enqueue_indirect_dma source(%dma_start3A_249 : memref<768x128xf32, #tpu.memory_space<hbm>>) target(%dma_start3A_244 : memref<128x128xf32, #tpu.memory_space<vmem>>) offsets(%dma_start3A_246 : memref<128xi32, #tpu.memory_space<vmem>>) semaphore(%dma_start3A_251 : memref<!tpu.dma_semaphore, #tpu.memory_space<semaphore_mem>>)
    %dma_start3A_252 = arith.constant 0 : i32
    %dma_start3A_253 = arith.constant 0 : i32
    %dma_start3A_254 = arith.constant 0 : i32
    %dma_start3A_255 = arith.constant 0 : i32
    %dma_start3A_256 = tpu.memref_slice %arg13[%dma_start3A_252, %dma_start3A_254, %dma_start3A_255] : memref<2x128x128xf32, #tpu.memory_space<vmem>> -> memref<1x128x128xf32, #tpu.memory_space<vmem>>
    %dma_start3A_257 = tpu.memref_squeeze %dma_start3A_256 : memref<1x128x128xf32, #tpu.memory_space<vmem>> -> memref<128x128xf32, #tpu.memory_space<vmem>>
    %dma_start3A_258 = arith.constant 512 : i32
    %dma_start3A_259 = tpu.memref_slice %arg11[%dma_start3A_258] : memref<768xi32, #tpu.memory_space<vmem>> -> memref<128xi32, #tpu.memory_space<vmem>>
    %dma_start3A_260 = arith.constant 0 : i32
    %dma_start3A_261 = arith.constant 0 : i32
    %dma_start3A_262 = tpu.memref_slice %arg3[%dma_start3A_260, %dma_start3A_261] : memref<147456x128xf32, #tpu.memory_space<hbm>> -> memref<147456x128xf32, #tpu.memory_space<hbm>>
    %dma_start3A_263 = tpu.memref_slice %arg17[%dma_start3A_253] : memref<2x!tpu.dma_semaphore, #tpu.memory_space<semaphore_mem>> -> memref<1x!tpu.dma_semaphore, #tpu.memory_space<semaphore_mem>>
    %dma_start3A_264 = tpu.memref_squeeze %dma_start3A_263 : memref<1x!tpu.dma_semaphore, #tpu.memory_space<semaphore_mem>> -> memref<!tpu.dma_semaphore, #tpu.memory_space<semaphore_mem>>
    tpu.enqueue_indirect_dma source(%dma_start3A_262 : memref<147456x128xf32, #tpu.memory_space<hbm>>) target(%dma_start3A_257 : memref<128x128xf32, #tpu.memory_space<vmem>>) offsets(%dma_start3A_259 : memref<128xi32, #tpu.memory_space<vmem>>) semaphore(%dma_start3A_264 : memref<!tpu.dma_semaphore, #tpu.memory_space<semaphore_mem>>)
    %scan3A_265 = arith.constant 0 : i32
    %scan3A_266 = arith.constant 0 : i32
    %scan3A_267 = arith.constant 32 : i32
    %scan3A_268 = arith.addi %scan3A_266, %scan3A_267 : i32
    %scan3A_269 = arith.constant 1 : i32
    scf.for %scan3A_403 = %scan3A_266 to %scan3A_268 step %scan3A_269  : i32 {
      %mul3A_404 = arith.constant 16 : i32
      %mul3A_405 = arith.muli %scan3A_403, %mul3A_404 : i32
      %add3A_406 = arith.constant 1536 : i32
      %add3A_407 = arith.addi %add3A_406, %mul3A_405 : i32
      %iota3A = tpu.iota {dimensions = array<i32: 0>} : vector<16xi32>
      %add3A_408 = vector.broadcast %add3A_407 : i32 to vector<16xi32>
      %add3A_409 = arith.addi %add3A_408, %iota3A : vector<16xi32>
      %shift_right_arithmetic3A = arith.constant 2 : i32
      %shift_right_arithmetic3A_410 = vector.broadcast %shift_right_arithmetic3A : i32 to vector<16xi32>
      %shift_right_arithmetic3A_411 = arith.shrsi %add3A_409, %shift_right_arithmetic3A_410 : vector<16xi32>
      %gather3A = tpu.vector_load_idx %arg10[%shift_right_arithmetic3A_411] : memref<768xi32, #tpu.memory_space<vmem>>[vector<16xi32>], vector<16xi32>,
      %mul3A_412 = arith.constant 4 : i32
      %mul3A_413 = vector.broadcast %mul3A_412 : i32 to vector<16xi32>
      %mul3A_414 = arith.muli %gather3A, %mul3A_413 : vector<16xi32>
      %and3A = arith.constant 3 : i32
      %and3A_415 = vector.broadcast %and3A : i32 to vector<16xi32>
      %and3A_416 = arith.andi %add3A_409, %and3A_415 : vector<16xi32>
      %add3A_417 = arith.addi %mul3A_414, %and3A_416 : vector<16xi32>
      %gather3A_418 = tpu.vector_load_idx %arg14[%add3A_417] : memref<3072xf32, #tpu.memory_space<vmem>>[vector<16xi32>], vector<16xf32>,
      %mul3A_419 = arith.constant 16 : i32
      %mul3A_420 = arith.muli %scan3A_403, %mul3A_419 : i32
      %swap3A = arith.index_cast %mul3A_420 : i32 to index
      %swap3A_421 = tpu.vector_load %arg15[%swap3A] {strides = array<i32>} : memref<512xf32, #tpu.memory_space<vmem>>, vector<16xf32>,
      tpu.vector_store %arg15[%swap3A], %gather3A_418 {strides = array<i32>} : memref<512xf32, #tpu.memory_space<vmem>>, vector<16xf32>,
    }
    %scan3A_270 = arith.constant 32 : i32
    %mul3A_271 = arith.constant 4 : i32
    %mul3A_272 = arith.muli %add3A_238, %mul3A_271 : i32
    "tpu.region"() ({
      %run_scoped3A_403 = tpu.sem_alloc : memref<!tpu.dma_semaphore, #tpu.memory_space<semaphore_mem>>
      %dma_start3A_404 = tpu.memref_slice %arg9[%mul3A_272] : memref<98304xf32, #tpu.memory_space<hbm>> -> memref<512xf32, #tpu.memory_space<hbm>>
      %dma_start3A_405 = tpu.memref_slice %arg9[%mul3A_272] : memref<98304xf32, #tpu.memory_space<hbm>> -> memref<512xf32, #tpu.memory_space<hbm>>
      tpu.enqueue_dma source(%arg15 : memref<512xf32, #tpu.memory_space<vmem>>) target(%dma_start3A_405 : memref<512xf32, #tpu.memory_space<hbm>>) target_semaphore(%run_scoped3A_403 : memref<!tpu.dma_semaphore, #tpu.memory_space<semaphore_mem>>)
      %dma_wait3A_406 = tpu.memref_slice %arg9[%mul3A_272] : memref<98304xf32, #tpu.memory_space<hbm>> -> memref<512xf32, #tpu.memory_space<hbm>>
      %dma_wait3A_407 = tpu.memref_slice %arg9[%mul3A_272] : memref<98304xf32, #tpu.memory_space<hbm>> -> memref<512xf32, #tpu.memory_space<hbm>>
      tpu.wait_dma2 semaphore(%run_scoped3A_403 : memref<!tpu.dma_semaphore, #tpu.memory_space<semaphore_mem>>) src(%arg15 : memref<512xf32, #tpu.memory_space<vmem>>) dst(%dma_wait3A_407 : memref<512xf32, #tpu.memory_space<hbm>>)
      tpu.yield
    }) : () -> ()
    %dma_wait3A_273 = arith.constant 1 : i32
    %dma_wait3A_274 = arith.constant 1 : i32
    %dma_wait3A_275 = arith.constant 0 : i32
    %dma_wait3A_276 = arith.constant 0 : i32
    %dma_wait3A_277 = tpu.memref_slice %arg12[%dma_wait3A_273, %dma_wait3A_275, %dma_wait3A_276] : memref<2x128x128xf32, #tpu.memory_space<vmem>> -> memref<1x128x128xf32, #tpu.memory_space<vmem>>
    %dma_wait3A_278 = tpu.memref_squeeze %dma_wait3A_277 : memref<1x128x128xf32, #tpu.memory_space<vmem>> -> memref<128x128xf32, #tpu.memory_space<vmem>>
    %dma_wait3A_279 = arith.constant 384 : i32
    %dma_wait3A_280 = tpu.memref_slice %arg10[%dma_wait3A_279] : memref<768xi32, #tpu.memory_space<vmem>> -> memref<128xi32, #tpu.memory_space<vmem>>
    %dma_wait3A_281 = arith.constant 0 : i32
    %dma_wait3A_282 = arith.constant 0 : i32
    %dma_wait3A_283 = tpu.memref_slice %arg2[%dma_wait3A_281, %dma_wait3A_282] : memref<768x128xf32, #tpu.memory_space<hbm>> -> memref<768x128xf32, #tpu.memory_space<hbm>>
    %dma_wait3A_284 = tpu.memref_slice %arg16[%dma_wait3A_274] : memref<2x!tpu.dma_semaphore, #tpu.memory_space<semaphore_mem>> -> memref<1x!tpu.dma_semaphore, #tpu.memory_space<semaphore_mem>>
    %dma_wait3A_285 = tpu.memref_squeeze %dma_wait3A_284 : memref<1x!tpu.dma_semaphore, #tpu.memory_space<semaphore_mem>> -> memref<!tpu.dma_semaphore, #tpu.memory_space<semaphore_mem>>
    tpu.wait_indirect_dma semaphore(%dma_wait3A_285 : memref<!tpu.dma_semaphore, #tpu.memory_space<semaphore_mem>>) src(%dma_wait3A_283 : memref<768x128xf32, #tpu.memory_space<hbm>>) dst(%dma_wait3A_278 : memref<128x128xf32, #tpu.memory_space<vmem>>)
    %dma_wait3A_286 = arith.constant 1 : i32
    %dma_wait3A_287 = arith.constant 1 : i32
    %dma_wait3A_288 = arith.constant 0 : i32
    %dma_wait3A_289 = arith.constant 0 : i32
    %dma_wait3A_290 = tpu.memref_slice %arg13[%dma_wait3A_286, %dma_wait3A_288, %dma_wait3A_289] : memref<2x128x128xf32, #tpu.memory_space<vmem>> -> memref<1x128x128xf32, #tpu.memory_space<vmem>>
    %dma_wait3A_291 = tpu.memref_squeeze %dma_wait3A_290 : memref<1x128x128xf32, #tpu.memory_space<vmem>> -> memref<128x128xf32, #tpu.memory_space<vmem>>
    %dma_wait3A_292 = arith.constant 384 : i32
    %dma_wait3A_293 = tpu.memref_slice %arg11[%dma_wait3A_292] : memref<768xi32, #tpu.memory_space<vmem>> -> memref<128xi32, #tpu.memory_space<vmem>>
    %dma_wait3A_294 = arith.constant 0 : i32
    %dma_wait3A_295 = arith.constant 0 : i32
    %dma_wait3A_296 = tpu.memref_slice %arg3[%dma_wait3A_294, %dma_wait3A_295] : memref<147456x128xf32, #tpu.memory_space<hbm>> -> memref<147456x128xf32, #tpu.memory_space<hbm>>
    %dma_wait3A_297 = tpu.memref_slice %arg17[%dma_wait3A_287] : memref<2x!tpu.dma_semaphore, #tpu.memory_space<semaphore_mem>> -> memref<1x!tpu.dma_semaphore, #tpu.memory_space<semaphore_mem>>
    %dma_wait3A_298 = tpu.memref_squeeze %dma_wait3A_297 : memref<1x!tpu.dma_semaphore, #tpu.memory_space<semaphore_mem>> -> memref<!tpu.dma_semaphore, #tpu.memory_space<semaphore_mem>>
    tpu.wait_indirect_dma semaphore(%dma_wait3A_298 : memref<!tpu.dma_semaphore, #tpu.memory_space<semaphore_mem>>) src(%dma_wait3A_296 : memref<147456x128xf32, #tpu.memory_space<hbm>>) dst(%dma_wait3A_291 : memref<128x128xf32, #tpu.memory_space<vmem>>)
    %run_scoped3A_299 = arith.constant 1 : i32
    "tpu.region"() ({
      %run_scoped3A_403 = tpu.sem_alloc : memref<!tpu.dma_semaphore, #tpu.memory_space<semaphore_mem>>
      %dma_start3A_404 = arith.constant 0 : i32
      %dma_start3A_405 = arith.constant 0 : i32
      %dma_start3A_406 = tpu.memref_slice %arg12[%run_scoped3A_299, %dma_start3A_404, %dma_start3A_405] : memref<2x128x128xf32, #tpu.memory_space<vmem>> -> memref<1x128x128xf32, #tpu.memory_space<vmem>>
      %dma_start3A_407 = tpu.memref_squeeze %dma_start3A_406 : memref<1x128x128xf32, #tpu.memory_space<vmem>> -> memref<128x128xf32, #tpu.memory_space<vmem>>
      %dma_start3A_408 = arith.constant 0 : i32
      %dma_start3A_409 = tpu.memref_slice %arg7[%add3A_238, %dma_start3A_408] : memref<24576x128xf32, #tpu.memory_space<hbm>> -> memref<128x128xf32, #tpu.memory_space<hbm>>
      %dma_start3A_410 = arith.constant 0 : i32
      %dma_start3A_411 = tpu.memref_slice %arg7[%add3A_238, %dma_start3A_410] : memref<24576x128xf32, #tpu.memory_space<hbm>> -> memref<128x128xf32, #tpu.memory_space<hbm>>
      %dma_start3A_412 = arith.constant 0 : i32
      %dma_start3A_413 = arith.constant 0 : i32
      %dma_start3A_414 = tpu.memref_slice %arg12[%run_scoped3A_299, %dma_start3A_412, %dma_start3A_413] : memref<2x128x128xf32, #tpu.memory_space<vmem>> -> memref<1x128x128xf32, #tpu.memory_space<vmem>>
      %dma_start3A_415 = tpu.memref_squeeze %dma_start3A_414 : memref<1x128x128xf32, #tpu.memory_space<vmem>> -> memref<128x128xf32, #tpu.memory_space<vmem>>
      tpu.enqueue_dma source(%dma_start3A_415 : memref<128x128xf32, #tpu.memory_space<vmem>>) target(%dma_start3A_411 : memref<128x128xf32, #tpu.memory_space<hbm>>) target_semaphore(%run_scoped3A_403 : memref<!tpu.dma_semaphore, #tpu.memory_space<semaphore_mem>>)
      %dma_wait3A_416 = arith.constant 0 : i32
      %dma_wait3A_417 = arith.constant 0 : i32
      %dma_wait3A_418 = tpu.memref_slice %arg12[%run_scoped3A_299, %dma_wait3A_416, %dma_wait3A_417] : memref<2x128x128xf32, #tpu.memory_space<vmem>> -> memref<1x128x128xf32, #tpu.memory_space<vmem>>
      %dma_wait3A_419 = tpu.memref_squeeze %dma_wait3A_418 : memref<1x128x128xf32, #tpu.memory_space<vmem>> -> memref<128x128xf32, #tpu.memory_space<vmem>>
      %dma_wait3A_420 = arith.constant 0 : i32
      %dma_wait3A_421 = tpu.memref_slice %arg7[%add3A_238, %dma_wait3A_420] : memref<24576x128xf32, #tpu.memory_space<hbm>> -> memref<128x128xf32, #tpu.memory_space<hbm>>
      %dma_wait3A_422 = arith.constant 0 : i32
      %dma_wait3A_423 = tpu.memref_slice %arg7[%add3A_238, %dma_wait3A_422] : memref<24576x128xf32, #tpu.memory_space<hbm>> -> memref<128x128xf32, #tpu.memory_space<hbm>>
      %dma_wait3A_424 = arith.constant 0 : i32
      %dma_wait3A_425 = arith.constant 0 : i32
      %dma_wait3A_426 = tpu.memref_slice %arg12[%run_scoped3A_299, %dma_wait3A_424, %dma_wait3A_425] : memref<2x128x128xf32, #tpu.memory_space<vmem>> -> memref<1x128x128xf32, #tpu.memory_space<vmem>>
      %dma_wait3A_427 = tpu.memref_squeeze %dma_wait3A_426 : memref<1x128x128xf32, #tpu.memory_space<vmem>> -> memref<128x128xf32, #tpu.memory_space<vmem>>
      tpu.wait_dma2 semaphore(%run_scoped3A_403 : memref<!tpu.dma_semaphore, #tpu.memory_space<semaphore_mem>>) src(%dma_wait3A_427 : memref<128x128xf32, #tpu.memory_space<vmem>>) dst(%dma_wait3A_423 : memref<128x128xf32, #tpu.memory_space<hbm>>)
      tpu.yield
    }) : () -> ()
    %run_scoped3A_300 = arith.constant 1 : i32
    "tpu.region"() ({
      %run_scoped3A_403 = tpu.sem_alloc : memref<!tpu.dma_semaphore, #tpu.memory_space<semaphore_mem>>
      %dma_start3A_404 = arith.constant 0 : i32
      %dma_start3A_405 = arith.constant 0 : i32
      %dma_start3A_406 = tpu.memref_slice %arg13[%run_scoped3A_300, %dma_start3A_404, %dma_start3A_405] : memref<2x128x128xf32, #tpu.memory_space<vmem>> -> memref<1x128x128xf32, #tpu.memory_space<vmem>>
      %dma_start3A_407 = tpu.memref_squeeze %dma_start3A_406 : memref<1x128x128xf32, #tpu.memory_space<vmem>> -> memref<128x128xf32, #tpu.memory_space<vmem>>
      %dma_start3A_408 = arith.constant 0 : i32
      %dma_start3A_409 = tpu.memref_slice %arg8[%add3A_238, %dma_start3A_408] : memref<24576x128xf32, #tpu.memory_space<hbm>> -> memref<128x128xf32, #tpu.memory_space<hbm>>
      %dma_start3A_410 = arith.constant 0 : i32
      %dma_start3A_411 = tpu.memref_slice %arg8[%add3A_238, %dma_start3A_410] : memref<24576x128xf32, #tpu.memory_space<hbm>> -> memref<128x128xf32, #tpu.memory_space<hbm>>
      %dma_start3A_412 = arith.constant 0 : i32
      %dma_start3A_413 = arith.constant 0 : i32
      %dma_start3A_414 = tpu.memref_slice %arg13[%run_scoped3A_300, %dma_start3A_412, %dma_start3A_413] : memref<2x128x128xf32, #tpu.memory_space<vmem>> -> memref<1x128x128xf32, #tpu.memory_space<vmem>>
      %dma_start3A_415 = tpu.memref_squeeze %dma_start3A_414 : memref<1x128x128xf32, #tpu.memory_space<vmem>> -> memref<128x128xf32, #tpu.memory_space<vmem>>
      tpu.enqueue_dma source(%dma_start3A_415 : memref<128x128xf32, #tpu.memory_space<vmem>>) target(%dma_start3A_411 : memref<128x128xf32, #tpu.memory_space<hbm>>) target_semaphore(%run_scoped3A_403 : memref<!tpu.dma_semaphore, #tpu.memory_space<semaphore_mem>>)
      %dma_wait3A_416 = arith.constant 0 : i32
      %dma_wait3A_417 = arith.constant 0 : i32
      %dma_wait3A_418 = tpu.memref_slice %arg13[%run_scoped3A_300, %dma_wait3A_416, %dma_wait3A_417] : memref<2x128x128xf32, #tpu.memory_space<vmem>> -> memref<1x128x128xf32, #tpu.memory_space<vmem>>
      %dma_wait3A_419 = tpu.memref_squeeze %dma_wait3A_418 : memref<1x128x128xf32, #tpu.memory_space<vmem>> -> memref<128x128xf32, #tpu.memory_space<vmem>>
      %dma_wait3A_420 = arith.constant 0 : i32
      %dma_wait3A_421 = tpu.memref_slice %arg8[%add3A_238, %dma_wait3A_420] : memref<24576x128xf32, #tpu.memory_space<hbm>> -> memref<128x128xf32, #tpu.memory_space<hbm>>
      %dma_wait3A_422 = arith.constant 0 : i32
      %dma_wait3A_423 = tpu.memref_slice %arg8[%add3A_238, %dma_wait3A_422] : memref<24576x128xf32, #tpu.memory_space<hbm>> -> memref<128x128xf32, #tpu.memory_space<hbm>>
      %dma_wait3A_424 = arith.constant 0 : i32
      %dma_wait3A_425 = arith.constant 0 : i32
      %dma_wait3A_426 = tpu.memref_slice %arg13[%run_scoped3A_300, %dma_wait3A_424, %dma_wait3A_425] : memref<2x128x128xf32, #tpu.memory_space<vmem>> -> memref<1x128x128xf32, #tpu.memory_space<vmem>>
      %dma_wait3A_427 = tpu.memref_squeeze %dma_wait3A_426 : memref<1x128x128xf32, #tpu.memory_space<vmem>> -> memref<128x128xf32, #tpu.memory_space<vmem>>
      tpu.wait_dma2 semaphore(%run_scoped3A_403 : memref<!tpu.dma_semaphore, #tpu.memory_space<semaphore_mem>>) src(%dma_wait3A_427 : memref<128x128xf32, #tpu.memory_space<vmem>>) dst(%dma_wait3A_423 : memref<128x128xf32, #tpu.memory_space<hbm>>)
      tpu.yield
    }) : () -> ()
    %add3A_301 = arith.constant 512 : i32
    %add3A_302 = arith.addi %mul3A_2, %add3A_301 : i32
    %dma_start3A_303 = arith.constant 1 : i32
    %dma_start3A_304 = arith.constant 1 : i32
    %dma_start3A_305 = arith.constant 0 : i32
    %dma_start3A_306 = arith.constant 0 : i32
    %dma_start3A_307 = tpu.memref_slice %arg12[%dma_start3A_303, %dma_start3A_305, %dma_start3A_306] : memref<2x128x128xf32, #tpu.memory_space<vmem>> -> memref<1x128x128xf32, #tpu.memory_space<vmem>>
    %dma_start3A_308 = tpu.memref_squeeze %dma_start3A_307 : memref<1x128x128xf32, #tpu.memory_space<vmem>> -> memref<128x128xf32, #tpu.memory_space<vmem>>
    %dma_start3A_309 = arith.constant 640 : i32
    %dma_start3A_310 = tpu.memref_slice %arg10[%dma_start3A_309] : memref<768xi32, #tpu.memory_space<vmem>> -> memref<128xi32, #tpu.memory_space<vmem>>
    %dma_start3A_311 = arith.constant 0 : i32
    %dma_start3A_312 = arith.constant 0 : i32
    %dma_start3A_313 = tpu.memref_slice %arg2[%dma_start3A_311, %dma_start3A_312] : memref<768x128xf32, #tpu.memory_space<hbm>> -> memref<768x128xf32, #tpu.memory_space<hbm>>
    %dma_start3A_314 = tpu.memref_slice %arg16[%dma_start3A_304] : memref<2x!tpu.dma_semaphore, #tpu.memory_space<semaphore_mem>> -> memref<1x!tpu.dma_semaphore, #tpu.memory_space<semaphore_mem>>
    %dma_start3A_315 = tpu.memref_squeeze %dma_start3A_314 : memref<1x!tpu.dma_semaphore, #tpu.memory_space<semaphore_mem>> -> memref<!tpu.dma_semaphore, #tpu.memory_space<semaphore_mem>>
    tpu.enqueue_indirect_dma source(%dma_start3A_313 : memref<768x128xf32, #tpu.memory_space<hbm>>) target(%dma_start3A_308 : memref<128x128xf32, #tpu.memory_space<vmem>>) offsets(%dma_start3A_310 : memref<128xi32, #tpu.memory_space<vmem>>) semaphore(%dma_start3A_315 : memref<!tpu.dma_semaphore, #tpu.memory_space<semaphore_mem>>)
    %dma_start3A_316 = arith.constant 1 : i32
    %dma_start3A_317 = arith.constant 1 : i32
    %dma_start3A_318 = arith.constant 0 : i32
    %dma_start3A_319 = arith.constant 0 : i32
    %dma_start3A_320 = tpu.memref_slice %arg13[%dma_start3A_316, %dma_start3A_318, %dma_start3A_319] : memref<2x128x128xf32, #tpu.memory_space<vmem>> -> memref<1x128x128xf32, #tpu.memory_space<vmem>>
    %dma_start3A_321 = tpu.memref_squeeze %dma_start3A_320 : memref<1x128x128xf32, #tpu.memory_space<vmem>> -> memref<128x128xf32, #tpu.memory_space<vmem>>
    %dma_start3A_322 = arith.constant 640 : i32
    %dma_start3A_323 = tpu.memref_slice %arg11[%dma_start3A_322] : memref<768xi32, #tpu.memory_space<vmem>> -> memref<128xi32, #tpu.memory_space<vmem>>
    %dma_start3A_324 = arith.constant 0 : i32
    %dma_start3A_325 = arith.constant 0 : i32
    %dma_start3A_326 = tpu.memref_slice %arg3[%dma_start3A_324, %dma_start3A_325] : memref<147456x128xf32, #tpu.memory_space<hbm>> -> memref<147456x128xf32, #tpu.memory_space<hbm>>
    %dma_start3A_327 = tpu.memref_slice %arg17[%dma_start3A_317] : memref<2x!tpu.dma_semaphore, #tpu.memory_space<semaphore_mem>> -> memref<1x!tpu.dma_semaphore, #tpu.memory_space<semaphore_mem>>
    %dma_start3A_328 = tpu.memref_squeeze %dma_start3A_327 : memref<1x!tpu.dma_semaphore, #tpu.memory_space<semaphore_mem>> -> memref<!tpu.dma_semaphore, #tpu.memory_space<semaphore_mem>>
    tpu.enqueue_indirect_dma source(%dma_start3A_326 : memref<147456x128xf32, #tpu.memory_space<hbm>>) target(%dma_start3A_321 : memref<128x128xf32, #tpu.memory_space<vmem>>) offsets(%dma_start3A_323 : memref<128xi32, #tpu.memory_space<vmem>>) semaphore(%dma_start3A_328 : memref<!tpu.dma_semaphore, #tpu.memory_space<semaphore_mem>>)
    %scan3A_329 = arith.constant 0 : i32
    %scan3A_330 = arith.constant 0 : i32
    %scan3A_331 = arith.constant 32 : i32
    %scan3A_332 = arith.addi %scan3A_330, %scan3A_331 : i32
    %scan3A_333 = arith.constant 1 : i32
    scf.for %scan3A_403 = %scan3A_330 to %scan3A_332 step %scan3A_333  : i32 {
      %mul3A_404 = arith.constant 16 : i32
      %mul3A_405 = arith.muli %scan3A_403, %mul3A_404 : i32
      %add3A_406 = arith.constant 2048 : i32
      %add3A_407 = arith.addi %add3A_406, %mul3A_405 : i32
      %iota3A = tpu.iota {dimensions = array<i32: 0>} : vector<16xi32>
      %add3A_408 = vector.broadcast %add3A_407 : i32 to vector<16xi32>
      %add3A_409 = arith.addi %add3A_408, %iota3A : vector<16xi32>
      %shift_right_arithmetic3A = arith.constant 2 : i32
      %shift_right_arithmetic3A_410 = vector.broadcast %shift_right_arithmetic3A : i32 to vector<16xi32>
      %shift_right_arithmetic3A_411 = arith.shrsi %add3A_409, %shift_right_arithmetic3A_410 : vector<16xi32>
      %gather3A = tpu.vector_load_idx %arg10[%shift_right_arithmetic3A_411] : memref<768xi32, #tpu.memory_space<vmem>>[vector<16xi32>], vector<16xi32>,
      %mul3A_412 = arith.constant 4 : i32
      %mul3A_413 = vector.broadcast %mul3A_412 : i32 to vector<16xi32>
      %mul3A_414 = arith.muli %gather3A, %mul3A_413 : vector<16xi32>
      %and3A = arith.constant 3 : i32
      %and3A_415 = vector.broadcast %and3A : i32 to vector<16xi32>
      %and3A_416 = arith.andi %add3A_409, %and3A_415 : vector<16xi32>
      %add3A_417 = arith.addi %mul3A_414, %and3A_416 : vector<16xi32>
      %gather3A_418 = tpu.vector_load_idx %arg14[%add3A_417] : memref<3072xf32, #tpu.memory_space<vmem>>[vector<16xi32>], vector<16xf32>,
      %mul3A_419 = arith.constant 16 : i32
      %mul3A_420 = arith.muli %scan3A_403, %mul3A_419 : i32
      %swap3A = arith.index_cast %mul3A_420 : i32 to index
      %swap3A_421 = tpu.vector_load %arg15[%swap3A] {strides = array<i32>} : memref<512xf32, #tpu.memory_space<vmem>>, vector<16xf32>,
      tpu.vector_store %arg15[%swap3A], %gather3A_418 {strides = array<i32>} : memref<512xf32, #tpu.memory_space<vmem>>, vector<16xf32>,
    }
    %scan3A_334 = arith.constant 32 : i32
    %mul3A_335 = arith.constant 4 : i32
    %mul3A_336 = arith.muli %add3A_302, %mul3A_335 : i32
    "tpu.region"() ({
      %run_scoped3A_403 = tpu.sem_alloc : memref<!tpu.dma_semaphore, #tpu.memory_space<semaphore_mem>>
      %dma_start3A_404 = tpu.memref_slice %arg9[%mul3A_336] : memref<98304xf32, #tpu.memory_space<hbm>> -> memref<512xf32, #tpu.memory_space<hbm>>
      %dma_start3A_405 = tpu.memref_slice %arg9[%mul3A_336] : memref<98304xf32, #tpu.memory_space<hbm>> -> memref<512xf32, #tpu.memory_space<hbm>>
      tpu.enqueue_dma source(%arg15 : memref<512xf32, #tpu.memory_space<vmem>>) target(%dma_start3A_405 : memref<512xf32, #tpu.memory_space<hbm>>) target_semaphore(%run_scoped3A_403 : memref<!tpu.dma_semaphore, #tpu.memory_space<semaphore_mem>>)
      %dma_wait3A_406 = tpu.memref_slice %arg9[%mul3A_336] : memref<98304xf32, #tpu.memory_space<hbm>> -> memref<512xf32, #tpu.memory_space<hbm>>
      %dma_wait3A_407 = tpu.memref_slice %arg9[%mul3A_336] : memref<98304xf32, #tpu.memory_space<hbm>> -> memref<512xf32, #tpu.memory_space<hbm>>
      tpu.wait_dma2 semaphore(%run_scoped3A_403 : memref<!tpu.dma_semaphore, #tpu.memory_space<semaphore_mem>>) src(%arg15 : memref<512xf32, #tpu.memory_space<vmem>>) dst(%dma_wait3A_407 : memref<512xf32, #tpu.memory_space<hbm>>)
      tpu.yield
    }) : () -> ()
    %dma_wait3A_337 = arith.constant 0 : i32
    %dma_wait3A_338 = arith.constant 0 : i32
    %dma_wait3A_339 = arith.constant 0 : i32
    %dma_wait3A_340 = arith.constant 0 : i32
    %dma_wait3A_341 = tpu.memref_slice %arg12[%dma_wait3A_337, %dma_wait3A_339, %dma_wait3A_340] : memref<2x128x128xf32, #tpu.memory_space<vmem>> -> memref<1x128x128xf32, #tpu.memory_space<vmem>>
    %dma_wait3A_342 = tpu.memref_squeeze %dma_wait3A_341 : memref<1x128x128xf32, #tpu.memory_space<vmem>> -> memref<128x128xf32, #tpu.memory_space<vmem>>
    %dma_wait3A_343 = arith.constant 512 : i32
    %dma_wait3A_344 = tpu.memref_slice %arg10[%dma_wait3A_343] : memref<768xi32, #tpu.memory_space<vmem>> -> memref<128xi32, #tpu.memory_space<vmem>>
    %dma_wait3A_345 = arith.constant 0 : i32
    %dma_wait3A_346 = arith.constant 0 : i32
    %dma_wait3A_347 = tpu.memref_slice %arg2[%dma_wait3A_345, %dma_wait3A_346] : memref<768x128xf32, #tpu.memory_space<hbm>> -> memref<768x128xf32, #tpu.memory_space<hbm>>
    %dma_wait3A_348 = tpu.memref_slice %arg16[%dma_wait3A_338] : memref<2x!tpu.dma_semaphore, #tpu.memory_space<semaphore_mem>> -> memref<1x!tpu.dma_semaphore, #tpu.memory_space<semaphore_mem>>
    %dma_wait3A_349 = tpu.memref_squeeze %dma_wait3A_348 : memref<1x!tpu.dma_semaphore, #tpu.memory_space<semaphore_mem>> -> memref<!tpu.dma_semaphore, #tpu.memory_space<semaphore_mem>>
    tpu.wait_indirect_dma semaphore(%dma_wait3A_349 : memref<!tpu.dma_semaphore, #tpu.memory_space<semaphore_mem>>) src(%dma_wait3A_347 : memref<768x128xf32, #tpu.memory_space<hbm>>) dst(%dma_wait3A_342 : memref<128x128xf32, #tpu.memory_space<vmem>>)
    %dma_wait3A_350 = arith.constant 0 : i32
    %dma_wait3A_351 = arith.constant 0 : i32
    %dma_wait3A_352 = arith.constant 0 : i32
    %dma_wait3A_353 = arith.constant 0 : i32
    %dma_wait3A_354 = tpu.memref_slice %arg13[%dma_wait3A_350, %dma_wait3A_352, %dma_wait3A_353] : memref<2x128x128xf32, #tpu.memory_space<vmem>> -> memref<1x128x128xf32, #tpu.memory_space<vmem>>
    %dma_wait3A_355 = tpu.memref_squeeze %dma_wait3A_354 : memref<1x128x128xf32, #tpu.memory_space<vmem>> -> memref<128x128xf32, #tpu.memory_space<vmem>>
    %dma_wait3A_356 = arith.constant 512 : i32
    %dma_wait3A_357 = tpu.memref_slice %arg11[%dma_wait3A_356] : memref<768xi32, #tpu.memory_space<vmem>> -> memref<128xi32, #tpu.memory_space<vmem>>
    %dma_wait3A_358 = arith.constant 0 : i32
    %dma_wait3A_359 = arith.constant 0 : i32
    %dma_wait3A_360 = tpu.memref_slice %arg3[%dma_wait3A_358, %dma_wait3A_359] : memref<147456x128xf32, #tpu.memory_space<hbm>> -> memref<147456x128xf32, #tpu.memory_space<hbm>>
    %dma_wait3A_361 = tpu.memref_slice %arg17[%dma_wait3A_351] : memref<2x!tpu.dma_semaphore, #tpu.memory_space<semaphore_mem>> -> memref<1x!tpu.dma_semaphore, #tpu.memory_space<semaphore_mem>>
    %dma_wait3A_362 = tpu.memref_squeeze %dma_wait3A_361 : memref<1x!tpu.dma_semaphore, #tpu.memory_space<semaphore_mem>> -> memref<!tpu.dma_semaphore, #tpu.memory_space<semaphore_mem>>
    tpu.wait_indirect_dma semaphore(%dma_wait3A_362 : memref<!tpu.dma_semaphore, #tpu.memory_space<semaphore_mem>>) src(%dma_wait3A_360 : memref<147456x128xf32, #tpu.memory_space<hbm>>) dst(%dma_wait3A_355 : memref<128x128xf32, #tpu.memory_space<vmem>>)
    %run_scoped3A_363 = arith.constant 0 : i32
    "tpu.region"() ({
      %run_scoped3A_403 = tpu.sem_alloc : memref<!tpu.dma_semaphore, #tpu.memory_space<semaphore_mem>>
      %dma_start3A_404 = arith.constant 0 : i32
      %dma_start3A_405 = arith.constant 0 : i32
      %dma_start3A_406 = tpu.memref_slice %arg12[%run_scoped3A_363, %dma_start3A_404, %dma_start3A_405] : memref<2x128x128xf32, #tpu.memory_space<vmem>> -> memref<1x128x128xf32, #tpu.memory_space<vmem>>
      %dma_start3A_407 = tpu.memref_squeeze %dma_start3A_406 : memref<1x128x128xf32, #tpu.memory_space<vmem>> -> memref<128x128xf32, #tpu.memory_space<vmem>>
      %dma_start3A_408 = arith.constant 0 : i32
      %dma_start3A_409 = tpu.memref_slice %arg7[%add3A_302, %dma_start3A_408] : memref<24576x128xf32, #tpu.memory_space<hbm>> -> memref<128x128xf32, #tpu.memory_space<hbm>>
      %dma_start3A_410 = arith.constant 0 : i32
      %dma_start3A_411 = tpu.memref_slice %arg7[%add3A_302, %dma_start3A_410] : memref<24576x128xf32, #tpu.memory_space<hbm>> -> memref<128x128xf32, #tpu.memory_space<hbm>>
      %dma_start3A_412 = arith.constant 0 : i32
      %dma_start3A_413 = arith.constant 0 : i32
      %dma_start3A_414 = tpu.memref_slice %arg12[%run_scoped3A_363, %dma_start3A_412, %dma_start3A_413] : memref<2x128x128xf32, #tpu.memory_space<vmem>> -> memref<1x128x128xf32, #tpu.memory_space<vmem>>
      %dma_start3A_415 = tpu.memref_squeeze %dma_start3A_414 : memref<1x128x128xf32, #tpu.memory_space<vmem>> -> memref<128x128xf32, #tpu.memory_space<vmem>>
      tpu.enqueue_dma source(%dma_start3A_415 : memref<128x128xf32, #tpu.memory_space<vmem>>) target(%dma_start3A_411 : memref<128x128xf32, #tpu.memory_space<hbm>>) target_semaphore(%run_scoped3A_403 : memref<!tpu.dma_semaphore, #tpu.memory_space<semaphore_mem>>)
      %dma_wait3A_416 = arith.constant 0 : i32
      %dma_wait3A_417 = arith.constant 0 : i32
      %dma_wait3A_418 = tpu.memref_slice %arg12[%run_scoped3A_363, %dma_wait3A_416, %dma_wait3A_417] : memref<2x128x128xf32, #tpu.memory_space<vmem>> -> memref<1x128x128xf32, #tpu.memory_space<vmem>>
      %dma_wait3A_419 = tpu.memref_squeeze %dma_wait3A_418 : memref<1x128x128xf32, #tpu.memory_space<vmem>> -> memref<128x128xf32, #tpu.memory_space<vmem>>
      %dma_wait3A_420 = arith.constant 0 : i32
      %dma_wait3A_421 = tpu.memref_slice %arg7[%add3A_302, %dma_wait3A_420] : memref<24576x128xf32, #tpu.memory_space<hbm>> -> memref<128x128xf32, #tpu.memory_space<hbm>>
      %dma_wait3A_422 = arith.constant 0 : i32
      %dma_wait3A_423 = tpu.memref_slice %arg7[%add3A_302, %dma_wait3A_422] : memref<24576x128xf32, #tpu.memory_space<hbm>> -> memref<128x128xf32, #tpu.memory_space<hbm>>
      %dma_wait3A_424 = arith.constant 0 : i32
      %dma_wait3A_425 = arith.constant 0 : i32
      %dma_wait3A_426 = tpu.memref_slice %arg12[%run_scoped3A_363, %dma_wait3A_424, %dma_wait3A_425] : memref<2x128x128xf32, #tpu.memory_space<vmem>> -> memref<1x128x128xf32, #tpu.memory_space<vmem>>
      %dma_wait3A_427 = tpu.memref_squeeze %dma_wait3A_426 : memref<1x128x128xf32, #tpu.memory_space<vmem>> -> memref<128x128xf32, #tpu.memory_space<vmem>>
      tpu.wait_dma2 semaphore(%run_scoped3A_403 : memref<!tpu.dma_semaphore, #tpu.memory_space<semaphore_mem>>) src(%dma_wait3A_427 : memref<128x128xf32, #tpu.memory_space<vmem>>) dst(%dma_wait3A_423 : memref<128x128xf32, #tpu.memory_space<hbm>>)
      tpu.yield
    }) : () -> ()
    %run_scoped3A_364 = arith.constant 0 : i32
    "tpu.region"() ({
      %run_scoped3A_403 = tpu.sem_alloc : memref<!tpu.dma_semaphore, #tpu.memory_space<semaphore_mem>>
      %dma_start3A_404 = arith.constant 0 : i32
      %dma_start3A_405 = arith.constant 0 : i32
      %dma_start3A_406 = tpu.memref_slice %arg13[%run_scoped3A_364, %dma_start3A_404, %dma_start3A_405] : memref<2x128x128xf32, #tpu.memory_space<vmem>> -> memref<1x128x128xf32, #tpu.memory_space<vmem>>
      %dma_start3A_407 = tpu.memref_squeeze %dma_start3A_406 : memref<1x128x128xf32, #tpu.memory_space<vmem>> -> memref<128x128xf32, #tpu.memory_space<vmem>>
      %dma_start3A_408 = arith.constant 0 : i32
      %dma_start3A_409 = tpu.memref_slice %arg8[%add3A_302, %dma_start3A_408] : memref<24576x128xf32, #tpu.memory_space<hbm>> -> memref<128x128xf32, #tpu.memory_space<hbm>>
      %dma_start3A_410 = arith.constant 0 : i32
      %dma_start3A_411 = tpu.memref_slice %arg8[%add3A_302, %dma_start3A_410] : memref<24576x128xf32, #tpu.memory_space<hbm>> -> memref<128x128xf32, #tpu.memory_space<hbm>>
      %dma_start3A_412 = arith.constant 0 : i32
      %dma_start3A_413 = arith.constant 0 : i32
      %dma_start3A_414 = tpu.memref_slice %arg13[%run_scoped3A_364, %dma_start3A_412, %dma_start3A_413] : memref<2x128x128xf32, #tpu.memory_space<vmem>> -> memref<1x128x128xf32, #tpu.memory_space<vmem>>
      %dma_start3A_415 = tpu.memref_squeeze %dma_start3A_414 : memref<1x128x128xf32, #tpu.memory_space<vmem>> -> memref<128x128xf32, #tpu.memory_space<vmem>>
      tpu.enqueue_dma source(%dma_start3A_415 : memref<128x128xf32, #tpu.memory_space<vmem>>) target(%dma_start3A_411 : memref<128x128xf32, #tpu.memory_space<hbm>>) target_semaphore(%run_scoped3A_403 : memref<!tpu.dma_semaphore, #tpu.memory_space<semaphore_mem>>)
      %dma_wait3A_416 = arith.constant 0 : i32
      %dma_wait3A_417 = arith.constant 0 : i32
      %dma_wait3A_418 = tpu.memref_slice %arg13[%run_scoped3A_364, %dma_wait3A_416, %dma_wait3A_417] : memref<2x128x128xf32, #tpu.memory_space<vmem>> -> memref<1x128x128xf32, #tpu.memory_space<vmem>>
      %dma_wait3A_419 = tpu.memref_squeeze %dma_wait3A_418 : memref<1x128x128xf32, #tpu.memory_space<vmem>> -> memref<128x128xf32, #tpu.memory_space<vmem>>
      %dma_wait3A_420 = arith.constant 0 : i32
      %dma_wait3A_421 = tpu.memref_slice %arg8[%add3A_302, %dma_wait3A_420] : memref<24576x128xf32, #tpu.memory_space<hbm>> -> memref<128x128xf32, #tpu.memory_space<hbm>>
      %dma_wait3A_422 = arith.constant 0 : i32
      %dma_wait3A_423 = tpu.memref_slice %arg8[%add3A_302, %dma_wait3A_422] : memref<24576x128xf32, #tpu.memory_space<hbm>> -> memref<128x128xf32, #tpu.memory_space<hbm>>
      %dma_wait3A_424 = arith.constant 0 : i32
      %dma_wait3A_425 = arith.constant 0 : i32
      %dma_wait3A_426 = tpu.memref_slice %arg13[%run_scoped3A_364, %dma_wait3A_424, %dma_wait3A_425] : memref<2x128x128xf32, #tpu.memory_space<vmem>> -> memref<1x128x128xf32, #tpu.memory_space<vmem>>
      %dma_wait3A_427 = tpu.memref_squeeze %dma_wait3A_426 : memref<1x128x128xf32, #tpu.memory_space<vmem>> -> memref<128x128xf32, #tpu.memory_space<vmem>>
      tpu.wait_dma2 semaphore(%run_scoped3A_403 : memref<!tpu.dma_semaphore, #tpu.memory_space<semaphore_mem>>) src(%dma_wait3A_427 : memref<128x128xf32, #tpu.memory_space<vmem>>) dst(%dma_wait3A_423 : memref<128x128xf32, #tpu.memory_space<hbm>>)
      tpu.yield
    }) : () -> ()
    %add3A_365 = arith.constant 640 : i32
    %add3A_366 = arith.addi %mul3A_2, %add3A_365 : i32
    %scan3A_367 = arith.constant 0 : i32
    %scan3A_368 = arith.constant 0 : i32
    %scan3A_369 = arith.constant 32 : i32
    %scan3A_370 = arith.addi %scan3A_368, %scan3A_369 : i32
    %scan3A_371 = arith.constant 1 : i32
    scf.for %scan3A_403 = %scan3A_368 to %scan3A_370 step %scan3A_371  : i32 {
      %mul3A_404 = arith.constant 16 : i32
      %mul3A_405 = arith.muli %scan3A_403, %mul3A_404 : i32
      %add3A_406 = arith.constant 2560 : i32
      %add3A_407 = arith.addi %add3A_406, %mul3A_405 : i32
      %iota3A = tpu.iota {dimensions = array<i32: 0>} : vector<16xi32>
      %add3A_408 = vector.broadcast %add3A_407 : i32 to vector<16xi32>
      %add3A_409 = arith.addi %add3A_408, %iota3A : vector<16xi32>
      %shift_right_arithmetic3A = arith.constant 2 : i32
      %shift_right_arithmetic3A_410 = vector.broadcast %shift_right_arithmetic3A : i32 to vector<16xi32>
      %shift_right_arithmetic3A_411 = arith.shrsi %add3A_409, %shift_right_arithmetic3A_410 : vector<16xi32>
      %gather3A = tpu.vector_load_idx %arg10[%shift_right_arithmetic3A_411] : memref<768xi32, #tpu.memory_space<vmem>>[vector<16xi32>], vector<16xi32>,
      %mul3A_412 = arith.constant 4 : i32
      %mul3A_413 = vector.broadcast %mul3A_412 : i32 to vector<16xi32>
      %mul3A_414 = arith.muli %gather3A, %mul3A_413 : vector<16xi32>
      %and3A = arith.constant 3 : i32
      %and3A_415 = vector.broadcast %and3A : i32 to vector<16xi32>
      %and3A_416 = arith.andi %add3A_409, %and3A_415 : vector<16xi32>
      %add3A_417 = arith.addi %mul3A_414, %and3A_416 : vector<16xi32>
      %gather3A_418 = tpu.vector_load_idx %arg14[%add3A_417] : memref<3072xf32, #tpu.memory_space<vmem>>[vector<16xi32>], vector<16xf32>,
      %mul3A_419 = arith.constant 16 : i32
      %mul3A_420 = arith.muli %scan3A_403, %mul3A_419 : i32
      %swap3A = arith.index_cast %mul3A_420 : i32 to index
      %swap3A_421 = tpu.vector_load %arg15[%swap3A] {strides = array<i32>} : memref<512xf32, #tpu.memory_space<vmem>>, vector<16xf32>,
      tpu.vector_store %arg15[%swap3A], %gather3A_418 {strides = array<i32>} : memref<512xf32, #tpu.memory_space<vmem>>, vector<16xf32>,
    }
    %scan3A_372 = arith.constant 32 : i32
    %mul3A_373 = arith.constant 4 : i32
    %mul3A_374 = arith.muli %add3A_366, %mul3A_373 : i32
    "tpu.region"() ({
      %run_scoped3A_403 = tpu.sem_alloc : memref<!tpu.dma_semaphore, #tpu.memory_space<semaphore_mem>>
      %dma_start3A_404 = tpu.memref_slice %arg9[%mul3A_374] : memref<98304xf32, #tpu.memory_space<hbm>> -> memref<512xf32, #tpu.memory_space<hbm>>
      %dma_start3A_405 = tpu.memref_slice %arg9[%mul3A_374] : memref<98304xf32, #tpu.memory_space<hbm>> -> memref<512xf32, #tpu.memory_space<hbm>>
      tpu.enqueue_dma source(%arg15 : memref<512xf32, #tpu.memory_space<vmem>>) target(%dma_start3A_405 : memref<512xf32, #tpu.memory_space<hbm>>) target_semaphore(%run_scoped3A_403 : memref<!tpu.dma_semaphore, #tpu.memory_space<semaphore_mem>>)
      %dma_wait3A_406 = tpu.memref_slice %arg9[%mul3A_374] : memref<98304xf32, #tpu.memory_space<hbm>> -> memref<512xf32, #tpu.memory_space<hbm>>
      %dma_wait3A_407 = tpu.memref_slice %arg9[%mul3A_374] : memref<98304xf32, #tpu.memory_space<hbm>> -> memref<512xf32, #tpu.memory_space<hbm>>
      tpu.wait_dma2 semaphore(%run_scoped3A_403 : memref<!tpu.dma_semaphore, #tpu.memory_space<semaphore_mem>>) src(%arg15 : memref<512xf32, #tpu.memory_space<vmem>>) dst(%dma_wait3A_407 : memref<512xf32, #tpu.memory_space<hbm>>)
      tpu.yield
    }) : () -> ()
    %dma_wait3A_375 = arith.constant 1 : i32
    %dma_wait3A_376 = arith.constant 1 : i32
    %dma_wait3A_377 = arith.constant 0 : i32
    %dma_wait3A_378 = arith.constant 0 : i32
    %dma_wait3A_379 = tpu.memref_slice %arg12[%dma_wait3A_375, %dma_wait3A_377, %dma_wait3A_378] : memref<2x128x128xf32, #tpu.memory_space<vmem>> -> memref<1x128x128xf32, #tpu.memory_space<vmem>>
    %dma_wait3A_380 = tpu.memref_squeeze %dma_wait3A_379 : memref<1x128x128xf32, #tpu.memory_space<vmem>> -> memref<128x128xf32, #tpu.memory_space<vmem>>
    %dma_wait3A_381 = arith.constant 640 : i32
    %dma_wait3A_382 = tpu.memref_slice %arg10[%dma_wait3A_381] : memref<768xi32, #tpu.memory_space<vmem>> -> memref<128xi32, #tpu.memory_space<vmem>>
    %dma_wait3A_383 = arith.constant 0 : i32
    %dma_wait3A_384 = arith.constant 0 : i32
    %dma_wait3A_385 = tpu.memref_slice %arg2[%dma_wait3A_383, %dma_wait3A_384] : memref<768x128xf32, #tpu.memory_space<hbm>> -> memref<768x128xf32, #tpu.memory_space<hbm>>
    %dma_wait3A_386 = tpu.memref_slice %arg16[%dma_wait3A_376] : memref<2x!tpu.dma_semaphore, #tpu.memory_space<semaphore_mem>> -> memref<1x!tpu.dma_semaphore, #tpu.memory_space<semaphore_mem>>
    %dma_wait3A_387 = tpu.memref_squeeze %dma_wait3A_386 : memref<1x!tpu.dma_semaphore, #tpu.memory_space<semaphore_mem>> -> memref<!tpu.dma_semaphore, #tpu.memory_space<semaphore_mem>>
    tpu.wait_indirect_dma semaphore(%dma_wait3A_387 : memref<!tpu.dma_semaphore, #tpu.memory_space<semaphore_mem>>) src(%dma_wait3A_385 : memref<768x128xf32, #tpu.memory_space<hbm>>) dst(%dma_wait3A_380 : memref<128x128xf32, #tpu.memory_space<vmem>>)
    %dma_wait3A_388 = arith.constant 1 : i32
    %dma_wait3A_389 = arith.constant 1 : i32
    %dma_wait3A_390 = arith.constant 0 : i32
    %dma_wait3A_391 = arith.constant 0 : i32
    %dma_wait3A_392 = tpu.memref_slice %arg13[%dma_wait3A_388, %dma_wait3A_390, %dma_wait3A_391] : memref<2x128x128xf32, #tpu.memory_space<vmem>> -> memref<1x128x128xf32, #tpu.memory_space<vmem>>
    %dma_wait3A_393 = tpu.memref_squeeze %dma_wait3A_392 : memref<1x128x128xf32, #tpu.memory_space<vmem>> -> memref<128x128xf32, #tpu.memory_space<vmem>>
    %dma_wait3A_394 = arith.constant 640 : i32
    %dma_wait3A_395 = tpu.memref_slice %arg11[%dma_wait3A_394] : memref<768xi32, #tpu.memory_space<vmem>> -> memref<128xi32, #tpu.memory_space<vmem>>
    %dma_wait3A_396 = arith.constant 0 : i32
    %dma_wait3A_397 = arith.constant 0 : i32
    %dma_wait3A_398 = tpu.memref_slice %arg3[%dma_wait3A_396, %dma_wait3A_397] : memref<147456x128xf32, #tpu.memory_space<hbm>> -> memref<147456x128xf32, #tpu.memory_space<hbm>>
    %dma_wait3A_399 = tpu.memref_slice %arg17[%dma_wait3A_389] : memref<2x!tpu.dma_semaphore, #tpu.memory_space<semaphore_mem>> -> memref<1x!tpu.dma_semaphore, #tpu.memory_space<semaphore_mem>>
    %dma_wait3A_400 = tpu.memref_squeeze %dma_wait3A_399 : memref<1x!tpu.dma_semaphore, #tpu.memory_space<semaphore_mem>> -> memref<!tpu.dma_semaphore, #tpu.memory_space<semaphore_mem>>
    tpu.wait_indirect_dma semaphore(%dma_wait3A_400 : memref<!tpu.dma_semaphore, #tpu.memory_space<semaphore_mem>>) src(%dma_wait3A_398 : memref<147456x128xf32, #tpu.memory_space<hbm>>) dst(%dma_wait3A_393 : memref<128x128xf32, #tpu.memory_space<vmem>>)
    %run_scoped3A_401 = arith.constant 1 : i32
    "tpu.region"() ({
      %run_scoped3A_403 = tpu.sem_alloc : memref<!tpu.dma_semaphore, #tpu.memory_space<semaphore_mem>>
      %dma_start3A_404 = arith.constant 0 : i32
      %dma_start3A_405 = arith.constant 0 : i32
      %dma_start3A_406 = tpu.memref_slice %arg12[%run_scoped3A_401, %dma_start3A_404, %dma_start3A_405] : memref<2x128x128xf32, #tpu.memory_space<vmem>> -> memref<1x128x128xf32, #tpu.memory_space<vmem>>
      %dma_start3A_407 = tpu.memref_squeeze %dma_start3A_406 : memref<1x128x128xf32, #tpu.memory_space<vmem>> -> memref<128x128xf32, #tpu.memory_space<vmem>>
      %dma_start3A_408 = arith.constant 0 : i32
      %dma_start3A_409 = tpu.memref_slice %arg7[%add3A_366, %dma_start3A_408] : memref<24576x128xf32, #tpu.memory_space<hbm>> -> memref<128x128xf32, #tpu.memory_space<hbm>>
      %dma_start3A_410 = arith.constant 0 : i32
      %dma_start3A_411 = tpu.memref_slice %arg7[%add3A_366, %dma_start3A_410] : memref<24576x128xf32, #tpu.memory_space<hbm>> -> memref<128x128xf32, #tpu.memory_space<hbm>>
      %dma_start3A_412 = arith.constant 0 : i32
      %dma_start3A_413 = arith.constant 0 : i32
      %dma_start3A_414 = tpu.memref_slice %arg12[%run_scoped3A_401, %dma_start3A_412, %dma_start3A_413] : memref<2x128x128xf32, #tpu.memory_space<vmem>> -> memref<1x128x128xf32, #tpu.memory_space<vmem>>
      %dma_start3A_415 = tpu.memref_squeeze %dma_start3A_414 : memref<1x128x128xf32, #tpu.memory_space<vmem>> -> memref<128x128xf32, #tpu.memory_space<vmem>>
      tpu.enqueue_dma source(%dma_start3A_415 : memref<128x128xf32, #tpu.memory_space<vmem>>) target(%dma_start3A_411 : memref<128x128xf32, #tpu.memory_space<hbm>>) target_semaphore(%run_scoped3A_403 : memref<!tpu.dma_semaphore, #tpu.memory_space<semaphore_mem>>)
      %dma_wait3A_416 = arith.constant 0 : i32
      %dma_wait3A_417 = arith.constant 0 : i32
      %dma_wait3A_418 = tpu.memref_slice %arg12[%run_scoped3A_401, %dma_wait3A_416, %dma_wait3A_417] : memref<2x128x128xf32, #tpu.memory_space<vmem>> -> memref<1x128x128xf32, #tpu.memory_space<vmem>>
      %dma_wait3A_419 = tpu.memref_squeeze %dma_wait3A_418 : memref<1x128x128xf32, #tpu.memory_space<vmem>> -> memref<128x128xf32, #tpu.memory_space<vmem>>
      %dma_wait3A_420 = arith.constant 0 : i32
      %dma_wait3A_421 = tpu.memref_slice %arg7[%add3A_366, %dma_wait3A_420] : memref<24576x128xf32, #tpu.memory_space<hbm>> -> memref<128x128xf32, #tpu.memory_space<hbm>>
      %dma_wait3A_422 = arith.constant 0 : i32
      %dma_wait3A_423 = tpu.memref_slice %arg7[%add3A_366, %dma_wait3A_422] : memref<24576x128xf32, #tpu.memory_space<hbm>> -> memref<128x128xf32, #tpu.memory_space<hbm>>
      %dma_wait3A_424 = arith.constant 0 : i32
      %dma_wait3A_425 = arith.constant 0 : i32
      %dma_wait3A_426 = tpu.memref_slice %arg12[%run_scoped3A_401, %dma_wait3A_424, %dma_wait3A_425] : memref<2x128x128xf32, #tpu.memory_space<vmem>> -> memref<1x128x128xf32, #tpu.memory_space<vmem>>
      %dma_wait3A_427 = tpu.memref_squeeze %dma_wait3A_426 : memref<1x128x128xf32, #tpu.memory_space<vmem>> -> memref<128x128xf32, #tpu.memory_space<vmem>>
      tpu.wait_dma2 semaphore(%run_scoped3A_403 : memref<!tpu.dma_semaphore, #tpu.memory_space<semaphore_mem>>) src(%dma_wait3A_427 : memref<128x128xf32, #tpu.memory_space<vmem>>) dst(%dma_wait3A_423 : memref<128x128xf32, #tpu.memory_space<hbm>>)
      tpu.yield
    }) : () -> ()
    %run_scoped3A_402 = arith.constant 1 : i32
    "tpu.region"() ({
      %run_scoped3A_403 = tpu.sem_alloc : memref<!tpu.dma_semaphore, #tpu.memory_space<semaphore_mem>>
      %dma_start3A_404 = arith.constant 0 : i32
      %dma_start3A_405 = arith.constant 0 : i32
      %dma_start3A_406 = tpu.memref_slice %arg13[%run_scoped3A_402, %dma_start3A_404, %dma_start3A_405] : memref<2x128x128xf32, #tpu.memory_space<vmem>> -> memref<1x128x128xf32, #tpu.memory_space<vmem>>
      %dma_start3A_407 = tpu.memref_squeeze %dma_start3A_406 : memref<1x128x128xf32, #tpu.memory_space<vmem>> -> memref<128x128xf32, #tpu.memory_space<vmem>>
      %dma_start3A_408 = arith.constant 0 : i32
      %dma_start3A_409 = tpu.memref_slice %arg8[%add3A_366, %dma_start3A_408] : memref<24576x128xf32, #tpu.memory_space<hbm>> -> memref<128x128xf32, #tpu.memory_space<hbm>>
      %dma_start3A_410 = arith.constant 0 : i32
      %dma_start3A_411 = tpu.memref_slice %arg8[%add3A_366, %dma_start3A_410] : memref<24576x128xf32, #tpu.memory_space<hbm>> -> memref<128x128xf32, #tpu.memory_space<hbm>>
      %dma_start3A_412 = arith.constant 0 : i32
      %dma_start3A_413 = arith.constant 0 : i32
      %dma_start3A_414 = tpu.memref_slice %arg13[%run_scoped3A_402, %dma_start3A_412, %dma_start3A_413] : memref<2x128x128xf32, #tpu.memory_space<vmem>> -> memref<1x128x128xf32, #tpu.memory_space<vmem>>
      %dma_start3A_415 = tpu.memref_squeeze %dma_start3A_414 : memref<1x128x128xf32, #tpu.memory_space<vmem>> -> memref<128x128xf32, #tpu.memory_space<vmem>>
      tpu.enqueue_dma source(%dma_start3A_415 : memref<128x128xf32, #tpu.memory_space<vmem>>) target(%dma_start3A_411 : memref<128x128xf32, #tpu.memory_space<hbm>>) target_semaphore(%run_scoped3A_403 : memref<!tpu.dma_semaphore, #tpu.memory_space<semaphore_mem>>)
      %dma_wait3A_416 = arith.constant 0 : i32
      %dma_wait3A_417 = arith.constant 0 : i32
      %dma_wait3A_418 = tpu.memref_slice %arg13[%run_scoped3A_402, %dma_wait3A_416, %dma_wait3A_417] : memref<2x128x128xf32, #tpu.memory_space<vmem>> -> memref<1x128x128xf32, #tpu.memory_space<vmem>>
      %dma_wait3A_419 = tpu.memref_squeeze %dma_wait3A_418 : memref<1x128x128xf32, #tpu.memory_space<vmem>> -> memref<128x128xf32, #tpu.memory_space<vmem>>
      %dma_wait3A_420 = arith.constant 0 : i32
      %dma_wait3A_421 = tpu.memref_slice %arg8[%add3A_366, %dma_wait3A_420] : memref<24576x128xf32, #tpu.memory_space<hbm>> -> memref<128x128xf32, #tpu.memory_space<hbm>>
      %dma_wait3A_422 = arith.constant 0 : i32
      %dma_wait3A_423 = tpu.memref_slice %arg8[%add3A_366, %dma_wait3A_422] : memref<24576x128xf32, #tpu.memory_space<hbm>> -> memref<128x128xf32, #tpu.memory_space<hbm>>
      %dma_wait3A_424 = arith.constant 0 : i32
      %dma_wait3A_425 = arith.constant 0 : i32
      %dma_wait3A_426 = tpu.memref_slice %arg13[%run_scoped3A_402, %dma_wait3A_424, %dma_wait3A_425] : memref<2x128x128xf32, #tpu.memory_space<vmem>> -> memref<1x128x128xf32, #tpu.memory_space<vmem>>
      %dma_wait3A_427 = tpu.memref_squeeze %dma_wait3A_426 : memref<1x128x128xf32, #tpu.memory_space<vmem>> -> memref<128x128xf32, #tpu.memory_space<vmem>>
      tpu.wait_dma2 semaphore(%run_scoped3A_403 : memref<!tpu.dma_semaphore, #tpu.memory_space<semaphore_mem>>) src(%dma_wait3A_427 : memref<128x128xf32, #tpu.memory_space<vmem>>) dst(%dma_wait3A_423 : memref<128x128xf32, #tpu.memory_space<hbm>>)
      tpu.yield
    }) : () -> ()
    return
  }
}

module attributes {stable_mosaic.version = 14 : i64} {
  func.func @_tc_body(%arg0: i32, %arg1: memref<64x128xf32, #tpu.memory_space<vmem>>, %arg2: memref<2048x128xf32, #tpu.memory_space<vmem>>, %arg3: memref<2048x128xf32, #tpu.memory_space<vmem>>, %arg4: memref<2048x4xf32, #tpu.memory_space<vmem>>, %arg5: memref<2048x1xi32, #tpu.memory_space<vmem>>, %arg6: memref<64x24xf32, #tpu.memory_space<vmem>>, %arg7: memref<128x192xf32, #tpu.memory_space<vmem>>, %arg8: memref<128x192xf32, #tpu.memory_space<vmem>>, %arg9: memref<128x192xf32, #tpu.memory_space<vmem>>, %arg10: memref<64x12xf32, #tpu.memory_space<vmem>>, %arg11: memref<192x12xf32, #tpu.memory_space<vmem>>, %arg12: memref<12x192xf32, #tpu.memory_space<vmem>>, %arg13: memref<64x2048xf32, #tpu.memory_space<vmem>>, %arg14: memref<768x128xf32, #tpu.memory_space<vmem>>, %arg15: memref<192x128xf32, #tpu.memory_space<vmem>>, %arg16: memref<96x128xf32, #tpu.memory_space<vmem>>, %arg17: memref<1x128xf32, #tpu.memory_space<vmem>>, %arg18: memref<1x12xf32, #tpu.memory_space<vmem>>, %arg19: memref<1x128xf32, #tpu.memory_space<vmem>>, %arg20: memref<1x128xf32, #tpu.memory_space<vmem>>, %arg21: memref<64x128xf32, #tpu.memory_space<vmem>>) attributes {dimension_semantics = [#tpu.dimension_semantics<arbitrary>], iteration_bounds = array<i64: 12>, scalar_prefetch = 0 : i64, scratch_operands = 0 : i64, tpu.core_type = #tpu.core_type<tc>, window_params = [{transform_indices = @transform_0, window_bounds = array<i64: 64, 128>}, {transform_indices = @transform_1, window_bounds = array<i64: 2048, 128>}, {transform_indices = @transform_2, window_bounds = array<i64: 2048, 128>}, {transform_indices = @transform_3, window_bounds = array<i64: 2048, 4>}, {transform_indices = @transform_4, window_bounds = array<i64: 2048, 1>}, {transform_indices = @transform_5, window_bounds = array<i64: 64, 24>}, {pipeline_mode = #tpu.pipeline_mode<synchronous>, transform_indices = @transform_6, window_bounds = array<i64: 128, 192>}, {pipeline_mode = #tpu.pipeline_mode<synchronous>, transform_indices = @transform_7, window_bounds = array<i64: 128, 192>}, {pipeline_mode = #tpu.pipeline_mode<synchronous>, transform_indices = @transform_8, window_bounds = array<i64: 128, 192>}, {pipeline_mode = #tpu.pipeline_mode<synchronous>, transform_indices = @transform_9, window_bounds = array<i64: 64, 12>}, {pipeline_mode = #tpu.pipeline_mode<synchronous>, transform_indices = @transform_10, window_bounds = array<i64: 192, 12>}, {pipeline_mode = #tpu.pipeline_mode<synchronous>, transform_indices = @transform_11, window_bounds = array<i64: 12, 192>}, {pipeline_mode = #tpu.pipeline_mode<synchronous>, transform_indices = @transform_12, window_bounds = array<i64: 64, 2048>}, {pipeline_mode = #tpu.pipeline_mode<synchronous>, transform_indices = @transform_13, window_bounds = array<i64: 768, 128>}, {pipeline_mode = #tpu.pipeline_mode<synchronous>, transform_indices = @transform_14, window_bounds = array<i64: 192, 128>}, {pipeline_mode = #tpu.pipeline_mode<synchronous>, transform_indices = @transform_15, window_bounds = array<i64: 96, 128>}, {pipeline_mode = #tpu.pipeline_mode<synchronous>, transform_indices = @transform_16, window_bounds = array<i64: 1, 128>}, {pipeline_mode = #tpu.pipeline_mode<synchronous>, transform_indices = @transform_17, window_bounds = array<i64: 1, 12>}, {pipeline_mode = #tpu.pipeline_mode<synchronous>, transform_indices = @transform_18, window_bounds = array<i64: 1, 128>}, {pipeline_mode = #tpu.pipeline_mode<synchronous>, transform_indices = @transform_19, window_bounds = array<i64: 1, 128>}, {transform_indices = @transform_20, window_bounds = array<i64: 64, 128>}]} {
    %get3A = arith.constant 0 : index
    %get3A_0 = arith.constant 0 : index
    %get3A_1 = vector.load %arg1[%get3A, %get3A_0] : memref<64x128xf32, #tpu.memory_space<vmem>>, vector<64x128xf32>
    %get3A_2 = arith.constant 0 : index
    %get3A_3 = arith.constant 0 : index
    %get3A_4 = vector.load %arg2[%get3A_2, %get3A_3] : memref<2048x128xf32, #tpu.memory_space<vmem>>, vector<2048x128xf32>
    %get3A_5 = arith.constant 0 : index
    %get3A_6 = arith.constant 0 : index
    %get3A_7 = vector.load %arg3[%get3A_5, %get3A_6] : memref<2048x128xf32, #tpu.memory_space<vmem>>, vector<2048x128xf32>
    %get3A_8 = arith.constant 0 : index
    %get3A_9 = arith.constant 0 : index
    %get3A_10 = vector.load %arg4[%get3A_8, %get3A_9] : memref<2048x4xf32, #tpu.memory_space<vmem>>, vector<2048x4xf32>
    %get3A_11 = arith.constant 0 : index
    %get3A_12 = arith.constant 0 : index
    %get3A_13 = vector.load %arg5[%get3A_11, %get3A_12] : memref<2048x1xi32, #tpu.memory_space<vmem>>, vector<2048x1xi32>
    %get3A_14 = arith.constant 0 : index
    %get3A_15 = arith.constant 0 : index
    %get3A_16 = vector.load %arg6[%get3A_14, %get3A_15] : memref<64x24xf32, #tpu.memory_space<vmem>>, vector<64x24xf32>
    %get3A_17 = arith.constant 0 : index
    %get3A_18 = arith.constant 0 : index
    %get3A_19 = vector.load %arg7[%get3A_17, %get3A_18] : memref<128x192xf32, #tpu.memory_space<vmem>>, vector<128x192xf32>
    %dot_general3A = arith.constant dense<0.000000e+00> : vector<64x192xf32>
    %dot_general3A_20 = tpu.matmul %get3A_1, %get3A_19, %dot_general3A {dimension_numbers = #tpu.dot_dimension_numbers<[1], [0], [0], [1], [0, 0, 1, 1], [], []>, transpose_lhs_hint = false} : vector<64x128xf32>, vector<128x192xf32>, vector<64x192xf32> -> vector<64x192xf32>
    %get3A_21 = arith.constant 0 : index
    %get3A_22 = arith.constant 0 : index
    %get3A_23 = vector.load %arg8[%get3A_21, %get3A_22] : memref<128x192xf32, #tpu.memory_space<vmem>>, vector<128x192xf32>
    %dot_general3A_24 = arith.constant dense<0.000000e+00> : vector<2048x192xf32>
    %dot_general3A_25 = tpu.matmul %get3A_4, %get3A_23, %dot_general3A_24 {dimension_numbers = #tpu.dot_dimension_numbers<[1], [0], [0], [1], [0, 0, 1, 1], [], []>, transpose_lhs_hint = false} : vector<2048x128xf32>, vector<128x192xf32>, vector<2048x192xf32> -> vector<2048x192xf32>
    %get3A_26 = arith.constant 0 : index
    %get3A_27 = arith.constant 0 : index
    %get3A_28 = vector.load %arg9[%get3A_26, %get3A_27] : memref<128x192xf32, #tpu.memory_space<vmem>>, vector<128x192xf32>
    %dot_general3A_29 = arith.constant dense<0.000000e+00> : vector<2048x192xf32>
    %dot_general3A_30 = tpu.matmul %get3A_4, %get3A_28, %dot_general3A_29 {dimension_numbers = #tpu.dot_dimension_numbers<[1], [0], [0], [1], [0, 0, 1, 1], [], []>, transpose_lhs_hint = false} : vector<2048x128xf32>, vector<128x192xf32>, vector<2048x192xf32> -> vector<2048x192xf32>
    %and3A = arith.constant 1 : i32
    %and3A_31 = vector.broadcast %and3A : i32 to vector<2048x1xi32>
    %and3A_32 = arith.andi %get3A_13, %and3A_31 : vector<2048x1xi32>
    %gt3A = arith.constant 0 : i32
    %gt3A_33 = vector.broadcast %gt3A : i32 to vector<2048x1xi32>
    %gt3A_34 = arith.cmpi sgt, %and3A_32, %gt3A_33 : vector<2048x1xi32>
    %slice3A = vector.extract_strided_slice %get3A_7 {offsets = [0, 64], sizes = [2048, 64], strides = [1, 1]} : vector<2048x128xf32> to vector<2048x64xf32>
    %slice3A_35 = vector.extract_strided_slice %get3A_7 {offsets = [0, 0], sizes = [2048, 64], strides = [1, 1]} : vector<2048x128xf32> to vector<2048x64xf32>
    %broadcast_in_dim3A = vector.shape_cast %gt3A_34 : vector<2048x1xi1> to vector<2048x1xi1>
    %broadcast_in_dim3A_36 = vector.broadcast %broadcast_in_dim3A : vector<2048x1xi1> to vector<2048x64xi1>
    %select_n3A = arith.select %broadcast_in_dim3A_36, %slice3A, %slice3A_35 : vector<2048x64xi1>, vector<2048x64xf32>
    %reshape3A = vector.shape_cast %dot_general3A_20 : vector<64x192xf32> to vector<64x1x192xf32>
    %broadcast_in_dim3A_37 = vector.shape_cast %reshape3A : vector<64x1x192xf32> to vector<64x1x192xf32>
    %broadcast_in_dim3A_38 = vector.broadcast %broadcast_in_dim3A_37 : vector<64x1x192xf32> to vector<64x32x192xf32>
    %reshape3A_39 = vector.shape_cast %broadcast_in_dim3A_38 : vector<64x32x192xf32> to vector<2048x192xf32>
    %mul3A = arith.mulf %dot_general3A_25, %reshape3A_39 : vector<2048x192xf32>
    %get3A_40 = arith.constant 0 : index
    %get3A_41 = arith.constant 0 : index
    %get3A_42 = vector.load %arg11[%get3A_40, %get3A_41] : memref<192x12xf32, #tpu.memory_space<vmem>>, vector<192x12xf32>
    %dot_general3A_43 = arith.constant dense<0.000000e+00> : vector<2048x12xf32>
    %dot_general3A_44 = tpu.matmul %mul3A, %get3A_42, %dot_general3A_43 {dimension_numbers = #tpu.dot_dimension_numbers<[1], [0], [0], [1], [0, 0, 1, 1], [], []>, transpose_lhs_hint = false} : vector<2048x192xf32>, vector<192x12xf32>, vector<2048x12xf32> -> vector<2048x12xf32>
    %get3A_45 = arith.constant 0 : index
    %get3A_46 = arith.constant 0 : index
    %get3A_47 = vector.load %arg10[%get3A_45, %get3A_46] : memref<64x12xf32, #tpu.memory_space<vmem>>, vector<64x12xf32>
    %dot_general3A_48 = arith.constant dense<0.000000e+00> : vector<2048x12xf32>
    %dot_general3A_49 = tpu.matmul %select_n3A, %get3A_47, %dot_general3A_48 {dimension_numbers = #tpu.dot_dimension_numbers<[1], [0], [0], [1], [0, 0, 1, 1], [], []>, transpose_lhs_hint = false} : vector<2048x64xf32>, vector<64x12xf32>, vector<2048x12xf32> -> vector<2048x12xf32>
    %slice3A_50 = vector.extract_strided_slice %get3A_16 {offsets = [0, 0], sizes = [64, 4], strides = [1, 1]} : vector<64x24xf32> to vector<64x4xf32>
    %reshape3A_51 = vector.shape_cast %slice3A_50 : vector<64x4xf32> to vector<64x1x4xf32>
    %broadcast_in_dim3A_52 = vector.shape_cast %reshape3A_51 : vector<64x1x4xf32> to vector<64x1x4xf32>
    %broadcast_in_dim3A_53 = vector.broadcast %broadcast_in_dim3A_52 : vector<64x1x4xf32> to vector<64x32x4xf32>
    %reshape3A_54 = vector.shape_cast %broadcast_in_dim3A_53 : vector<64x32x4xf32> to vector<2048x4xf32>
    %sub3A = arith.subf %get3A_10, %reshape3A_54 : vector<2048x4xf32>
    %mul3A_55 = arith.mulf %sub3A, %sub3A : vector<2048x4xf32>
    %reduce_sum3A = arith.constant dense<0.000000e+00> : vector<2048xf32>
    %reduce_sum3A_56 = vector.multi_reduction <add>, %mul3A_55, %reduce_sum3A [1] : vector<2048x4xf32> to vector<2048xf32>
    %broadcast_in_dim3A_57 = vector.shape_cast %reduce_sum3A_56 : vector<2048xf32> to vector<2048x1xf32>
    %get3A_58 = arith.constant 0 : index
    %get3A_59 = arith.constant 0 : index
    %get3A_60 = vector.load %arg18[%get3A_58, %get3A_59] : memref<1x12xf32, #tpu.memory_space<vmem>>, vector<1x12xf32>
    %exp3A = math.exp %get3A_60 : vector<1x12xf32>
    %add3A = arith.constant 1.000000e+00 : f32
    %add3A_61 = vector.broadcast %add3A : f32 to vector<1x12xf32>
    %add3A_62 = arith.addf %add3A_61, %exp3A : vector<1x12xf32>
    %log3A = math.log %add3A_62 : vector<1x12xf32>
    %mul3A_63 = arith.constant -0.235702261 : f32
    %mul3A_64 = vector.broadcast %mul3A_63 : f32 to vector<1x12xf32>
    %mul3A_65 = arith.mulf %log3A, %mul3A_64 : vector<1x12xf32>
    %mul3A_66 = vector.broadcast %broadcast_in_dim3A_57 : vector<2048x1xf32> to vector<2048x12xf32>
    %mul3A_67 = vector.broadcast %mul3A_65 : vector<1x12xf32> to vector<2048x12xf32>
    %mul3A_68 = arith.mulf %mul3A_66, %mul3A_67 : vector<2048x12xf32>
    %add3A_69 = arith.addf %dot_general3A_44, %dot_general3A_49 : vector<2048x12xf32>
    %add3A_70 = arith.addf %add3A_69, %mul3A_68 : vector<2048x12xf32>
    %mul3A_71 = arith.constant 0.577350259 : f32
    %mul3A_72 = vector.broadcast %mul3A_71 : f32 to vector<2048x12xf32>
    %mul3A_73 = arith.mulf %add3A_70, %mul3A_72 : vector<2048x12xf32>
    %reshape3A_74 = vector.shape_cast %mul3A_73 : vector<2048x12xf32> to vector<64x32x12xf32>
    %reduce_max3A = arith.constant dense<0xFF800000> : vector<64x12xf32>
    %reduce_max3A_75 = vector.multi_reduction <maximumf>, %reshape3A_74, %reduce_max3A [1] : vector<64x32x12xf32> to vector<64x12xf32>
    %broadcast_in_dim3A_76 = vector.shape_cast %reduce_max3A_75 : vector<64x12xf32> to vector<64x1x12xf32>
    %sub3A_77 = vector.broadcast %broadcast_in_dim3A_76 : vector<64x1x12xf32> to vector<64x32x12xf32>
    %sub3A_78 = arith.subf %reshape3A_74, %sub3A_77 : vector<64x32x12xf32>
    %exp3A_79 = math.exp %sub3A_78 : vector<64x32x12xf32>
    %reduce_sum3A_80 = arith.constant dense<0.000000e+00> : vector<64x12xf32>
    %reduce_sum3A_81 = vector.multi_reduction <add>, %exp3A_79, %reduce_sum3A_80 [1] : vector<64x32x12xf32> to vector<64x12xf32>
    %broadcast_in_dim3A_82 = vector.shape_cast %reduce_sum3A_81 : vector<64x12xf32> to vector<64x1x12xf32>
    %div3A = vector.broadcast %broadcast_in_dim3A_82 : vector<64x1x12xf32> to vector<64x32x12xf32>
    %div3A_83 = arith.divf %exp3A_79, %div3A : vector<64x32x12xf32>
    %reshape3A_84 = vector.shape_cast %div3A_83 : vector<64x32x12xf32> to vector<2048x12xf32>
    %get3A_85 = arith.constant 0 : index
    %get3A_86 = arith.constant 0 : index
    %get3A_87 = vector.load %arg13[%get3A_85, %get3A_86] : memref<64x2048xf32, #tpu.memory_space<vmem>>, vector<64x2048xf32>
    %get3A_88 = arith.constant 0 : index
    %get3A_89 = arith.constant 0 : index
    %get3A_90 = vector.load %arg12[%get3A_88, %get3A_89] : memref<12x192xf32, #tpu.memory_space<vmem>>, vector<12x192xf32>
    %dot_general3A_91 = arith.constant dense<0.000000e+00> : vector<2048x192xf32>
    %dot_general3A_92 = tpu.matmul %reshape3A_84, %get3A_90, %dot_general3A_91 {dimension_numbers = #tpu.dot_dimension_numbers<[1], [0], [0], [1], [0, 0, 1, 1], [], []>, transpose_lhs_hint = false} : vector<2048x12xf32>, vector<12x192xf32>, vector<2048x192xf32> -> vector<2048x192xf32>
    %mul3A_93 = arith.mulf %dot_general3A_30, %dot_general3A_92 : vector<2048x192xf32>
    %dot_general3A_94 = arith.constant dense<0.000000e+00> : vector<64x192xf32>
    %dot_general3A_95 = tpu.matmul %get3A_87, %mul3A_93, %dot_general3A_94 {dimension_numbers = #tpu.dot_dimension_numbers<[1], [0], [0], [1], [0, 0, 1, 1], [], []>, transpose_lhs_hint = false} : vector<64x2048xf32>, vector<2048x192xf32>, vector<64x192xf32> -> vector<64x192xf32>
    %concatenate3A = tpu.concatenate %select_n3A, %get3A_10 in 1 : vector<2048x64xf32>, vector<2048x4xf32> -> vector<2048x68xf32>
    %reshape3A_96 = vector.shape_cast %concatenate3A : vector<2048x68xf32> to vector<64x32x68xf32>
    %reshape3A_97 = vector.shape_cast %reshape3A_84 : vector<2048x12xf32> to vector<64x32x12xf32>
    %dot_general3A_98 = arith.constant dense<0.000000e+00> : vector<64x12x68xf32>
    %dot_general3A_99 = tpu.matmul %reshape3A_97, %reshape3A_96, %dot_general3A_98 {dimension_numbers = #tpu.dot_dimension_numbers<[1], [1], [2], [2], [0, 0, 0, 2, 1, 2], [0], [0]>, transpose_lhs_hint = false} : vector<64x32x12xf32>, vector<64x32x68xf32>, vector<64x12x68xf32> -> vector<64x12x68xf32>
    %slice3A_100 = vector.extract_strided_slice %dot_general3A_99 {offsets = [0, 0, 0], sizes = [64, 12, 64], strides = [1, 1, 1]} : vector<64x12x68xf32> to vector<64x12x64xf32>
    %reshape3A_101 = vector.shape_cast %slice3A_100 : vector<64x12x64xf32> to vector<64x768xf32>
    %slice3A_102 = vector.extract_strided_slice %dot_general3A_99 {offsets = [0, 0, 64], sizes = [64, 12, 1], strides = [1, 1, 1]} : vector<64x12x68xf32> to vector<64x12x1xf32>
    %squeeze3A = vector.shape_cast %slice3A_102 : vector<64x12x1xf32> to vector<64x12xf32>
    %slice3A_103 = vector.extract_strided_slice %dot_general3A_99 {offsets = [0, 0, 65], sizes = [64, 12, 1], strides = [1, 1, 1]} : vector<64x12x68xf32> to vector<64x12x1xf32>
    %squeeze3A_104 = vector.shape_cast %slice3A_103 : vector<64x12x1xf32> to vector<64x12xf32>
    %slice3A_105 = vector.extract_strided_slice %dot_general3A_99 {offsets = [0, 0, 66], sizes = [64, 12, 1], strides = [1, 1, 1]} : vector<64x12x68xf32> to vector<64x12x1xf32>
    %squeeze3A_106 = vector.shape_cast %slice3A_105 : vector<64x12x1xf32> to vector<64x12xf32>
    %slice3A_107 = vector.extract_strided_slice %get3A_16 {offsets = [0, 4], sizes = [64, 1], strides = [1, 1]} : vector<64x24xf32> to vector<64x1xf32>
    %sub3A_108 = vector.broadcast %slice3A_107 : vector<64x1xf32> to vector<64x12xf32>
    %sub3A_109 = arith.subf %squeeze3A, %sub3A_108 : vector<64x12xf32>
    %slice3A_110 = vector.extract_strided_slice %get3A_16 {offsets = [0, 5], sizes = [64, 1], strides = [1, 1]} : vector<64x24xf32> to vector<64x1xf32>
    %sub3A_111 = vector.broadcast %slice3A_110 : vector<64x1xf32> to vector<64x12xf32>
    %sub3A_112 = arith.subf %squeeze3A_104, %sub3A_111 : vector<64x12xf32>
    %slice3A_113 = vector.extract_strided_slice %get3A_16 {offsets = [0, 6], sizes = [64, 1], strides = [1, 1]} : vector<64x24xf32> to vector<64x1xf32>
    %sub3A_114 = vector.broadcast %slice3A_113 : vector<64x1xf32> to vector<64x12xf32>
    %sub3A_115 = arith.subf %squeeze3A_106, %sub3A_114 : vector<64x12xf32>
    %slice3A_116 = vector.extract_strided_slice %get3A_16 {offsets = [0, 8], sizes = [64, 1], strides = [1, 1]} : vector<64x24xf32> to vector<64x1xf32>
    %mul3A_117 = vector.broadcast %slice3A_116 : vector<64x1xf32> to vector<64x12xf32>
    %mul3A_118 = arith.mulf %sub3A_109, %mul3A_117 : vector<64x12xf32>
    %slice3A_119 = vector.extract_strided_slice %get3A_16 {offsets = [0, 11], sizes = [64, 1], strides = [1, 1]} : vector<64x24xf32> to vector<64x1xf32>
    %mul3A_120 = vector.broadcast %slice3A_119 : vector<64x1xf32> to vector<64x12xf32>
    %mul3A_121 = arith.mulf %sub3A_112, %mul3A_120 : vector<64x12xf32>
    %add3A_122 = arith.addf %mul3A_118, %mul3A_121 : vector<64x12xf32>
    %slice3A_123 = vector.extract_strided_slice %get3A_16 {offsets = [0, 14], sizes = [64, 1], strides = [1, 1]} : vector<64x24xf32> to vector<64x1xf32>
    %mul3A_124 = vector.broadcast %slice3A_123 : vector<64x1xf32> to vector<64x12xf32>
    %mul3A_125 = arith.mulf %sub3A_115, %mul3A_124 : vector<64x12xf32>
    %add3A_126 = arith.addf %add3A_122, %mul3A_125 : vector<64x12xf32>
    %slice3A_127 = vector.extract_strided_slice %get3A_16 {offsets = [0, 9], sizes = [64, 1], strides = [1, 1]} : vector<64x24xf32> to vector<64x1xf32>
    %mul3A_128 = vector.broadcast %slice3A_127 : vector<64x1xf32> to vector<64x12xf32>
    %mul3A_129 = arith.mulf %sub3A_109, %mul3A_128 : vector<64x12xf32>
    %slice3A_130 = vector.extract_strided_slice %get3A_16 {offsets = [0, 12], sizes = [64, 1], strides = [1, 1]} : vector<64x24xf32> to vector<64x1xf32>
    %mul3A_131 = vector.broadcast %slice3A_130 : vector<64x1xf32> to vector<64x12xf32>
    %mul3A_132 = arith.mulf %sub3A_112, %mul3A_131 : vector<64x12xf32>
    %add3A_133 = arith.addf %mul3A_129, %mul3A_132 : vector<64x12xf32>
    %slice3A_134 = vector.extract_strided_slice %get3A_16 {offsets = [0, 15], sizes = [64, 1], strides = [1, 1]} : vector<64x24xf32> to vector<64x1xf32>
    %mul3A_135 = vector.broadcast %slice3A_134 : vector<64x1xf32> to vector<64x12xf32>
    %mul3A_136 = arith.mulf %sub3A_115, %mul3A_135 : vector<64x12xf32>
    %add3A_137 = arith.addf %add3A_133, %mul3A_136 : vector<64x12xf32>
    %slice3A_138 = vector.extract_strided_slice %get3A_16 {offsets = [0, 10], sizes = [64, 1], strides = [1, 1]} : vector<64x24xf32> to vector<64x1xf32>
    %mul3A_139 = vector.broadcast %slice3A_138 : vector<64x1xf32> to vector<64x12xf32>
    %mul3A_140 = arith.mulf %sub3A_109, %mul3A_139 : vector<64x12xf32>
    %slice3A_141 = vector.extract_strided_slice %get3A_16 {offsets = [0, 13], sizes = [64, 1], strides = [1, 1]} : vector<64x24xf32> to vector<64x1xf32>
    %mul3A_142 = vector.broadcast %slice3A_141 : vector<64x1xf32> to vector<64x12xf32>
    %mul3A_143 = arith.mulf %sub3A_112, %mul3A_142 : vector<64x12xf32>
    %add3A_144 = arith.addf %mul3A_140, %mul3A_143 : vector<64x12xf32>
    %slice3A_145 = vector.extract_strided_slice %get3A_16 {offsets = [0, 16], sizes = [64, 1], strides = [1, 1]} : vector<64x24xf32> to vector<64x1xf32>
    %mul3A_146 = vector.broadcast %slice3A_145 : vector<64x1xf32> to vector<64x12xf32>
    %mul3A_147 = arith.mulf %sub3A_115, %mul3A_146 : vector<64x12xf32>
    %add3A_148 = arith.addf %add3A_144, %mul3A_147 : vector<64x12xf32>
    %mul3A_149 = arith.mulf %add3A_126, %add3A_126 : vector<64x12xf32>
    %mul3A_150 = arith.mulf %add3A_137, %add3A_137 : vector<64x12xf32>
    %add3A_151 = arith.addf %mul3A_149, %mul3A_150 : vector<64x12xf32>
    %mul3A_152 = arith.mulf %add3A_148, %add3A_148 : vector<64x12xf32>
    %add3A_153 = arith.addf %add3A_151, %mul3A_152 : vector<64x12xf32>
    %sqrt3A = math.sqrt %add3A_153 : vector<64x12xf32>
    %add3A_154 = arith.constant 9.99999974E-5 : f32
    %add3A_155 = vector.broadcast %add3A_154 : f32 to vector<64x12xf32>
    %add3A_156 = arith.addf %sqrt3A, %add3A_155 : vector<64x12xf32>
    %div3A_157 = arith.constant 1.000000e+00 : f32
    %div3A_158 = vector.broadcast %div3A_157 : f32 to vector<64x12xf32>
    %div3A_159 = arith.divf %div3A_158, %add3A_156 : vector<64x12xf32>
    %mul3A_160 = arith.mulf %add3A_126, %div3A_159 : vector<64x12xf32>
    %mul3A_161 = arith.mulf %add3A_137, %div3A_159 : vector<64x12xf32>
    %mul3A_162 = arith.mulf %add3A_148, %div3A_159 : vector<64x12xf32>
    %broadcast_in_dim3A_163 = arith.constant 0.000000e+00 : f32
    %broadcast_in_dim3A_164 = vector.broadcast %broadcast_in_dim3A_163 : f32 to vector<64x12xf32>
    %concatenate3A_165 = tpu.concatenate %add3A_126, %add3A_137, %add3A_148, %sqrt3A, %mul3A_160, %mul3A_161, %mul3A_162, %broadcast_in_dim3A_164 in 1 : vector<64x12xf32>, vector<64x12xf32>, vector<64x12xf32>, vector<64x12xf32>, vector<64x12xf32>, vector<64x12xf32>, vector<64x12xf32>, vector<64x12xf32> -> vector<64x96xf32>
    %get3A_166 = arith.constant 0 : index
    %get3A_167 = arith.constant 0 : index
    %get3A_168 = vector.load %arg14[%get3A_166, %get3A_167] : memref<768x128xf32, #tpu.memory_space<vmem>>, vector<768x128xf32>
    %dot_general3A_169 = arith.constant dense<0.000000e+00> : vector<64x128xf32>
    %dot_general3A_170 = tpu.matmul %reshape3A_101, %get3A_168, %dot_general3A_169 {dimension_numbers = #tpu.dot_dimension_numbers<[1], [0], [0], [1], [0, 0, 1, 1], [], []>, transpose_lhs_hint = false} : vector<64x768xf32>, vector<768x128xf32>, vector<64x128xf32> -> vector<64x128xf32>
    %get3A_171 = arith.constant 0 : index
    %get3A_172 = arith.constant 0 : index
    %get3A_173 = vector.load %arg15[%get3A_171, %get3A_172] : memref<192x128xf32, #tpu.memory_space<vmem>>, vector<192x128xf32>
    %dot_general3A_174 = arith.constant dense<0.000000e+00> : vector<64x128xf32>
    %dot_general3A_175 = tpu.matmul %dot_general3A_95, %get3A_173, %dot_general3A_174 {dimension_numbers = #tpu.dot_dimension_numbers<[1], [0], [0], [1], [0, 0, 1, 1], [], []>, transpose_lhs_hint = false} : vector<64x192xf32>, vector<192x128xf32>, vector<64x128xf32> -> vector<64x128xf32>
    %add3A_176 = arith.addf %dot_general3A_170, %dot_general3A_175 : vector<64x128xf32>
    %get3A_177 = arith.constant 0 : index
    %get3A_178 = arith.constant 0 : index
    %get3A_179 = vector.load %arg16[%get3A_177, %get3A_178] : memref<96x128xf32, #tpu.memory_space<vmem>>, vector<96x128xf32>
    %dot_general3A_180 = arith.constant dense<0.000000e+00> : vector<64x128xf32>
    %dot_general3A_181 = tpu.matmul %concatenate3A_165, %get3A_179, %dot_general3A_180 {dimension_numbers = #tpu.dot_dimension_numbers<[1], [0], [0], [1], [0, 0, 1, 1], [], []>, transpose_lhs_hint = false} : vector<64x96xf32>, vector<96x128xf32>, vector<64x128xf32> -> vector<64x128xf32>
    %add3A_182 = arith.addf %add3A_176, %dot_general3A_181 : vector<64x128xf32>
    %get3A_183 = arith.constant 0 : index
    %get3A_184 = arith.constant 0 : index
    %get3A_185 = vector.load %arg17[%get3A_183, %get3A_184] : memref<1x128xf32, #tpu.memory_space<vmem>>, vector<1x128xf32>
    %add3A_186 = vector.broadcast %get3A_185 : vector<1x128xf32> to vector<64x128xf32>
    %add3A_187 = arith.addf %add3A_182, %add3A_186 : vector<64x128xf32>
    %slice3A_188 = vector.extract_strided_slice %get3A_16 {offsets = [0, 17], sizes = [64, 1], strides = [1, 1]} : vector<64x24xf32> to vector<64x1xf32>
    %mul3A_189 = vector.broadcast %slice3A_188 : vector<64x1xf32> to vector<64x128xf32>
    %mul3A_190 = arith.mulf %add3A_187, %mul3A_189 : vector<64x128xf32>
    %add3A_191 = arith.addf %get3A_1, %mul3A_190 : vector<64x128xf32>
    %reduce_sum3A_192 = arith.constant dense<0.000000e+00> : vector<64xf32>
    %reduce_sum3A_193 = vector.multi_reduction <add>, %add3A_191, %reduce_sum3A_192 [1] : vector<64x128xf32> to vector<64xf32>
    %broadcast_in_dim3A_194 = vector.shape_cast %reduce_sum3A_193 : vector<64xf32> to vector<64x1xf32>
    %div3A_195 = arith.constant 1.280000e+02 : f32
    %div3A_196 = vector.broadcast %div3A_195 : f32 to vector<64x1xf32>
    %div3A_197 = arith.divf %broadcast_in_dim3A_194, %div3A_196 : vector<64x1xf32>
    %sub3A_198 = vector.broadcast %div3A_197 : vector<64x1xf32> to vector<64x128xf32>
    %sub3A_199 = arith.subf %add3A_191, %sub3A_198 : vector<64x128xf32>
    %mul3A_200 = arith.mulf %sub3A_199, %sub3A_199 : vector<64x128xf32>
    %reduce_sum3A_201 = arith.constant dense<0.000000e+00> : vector<64xf32>
    %reduce_sum3A_202 = vector.multi_reduction <add>, %mul3A_200, %reduce_sum3A_201 [1] : vector<64x128xf32> to vector<64xf32>
    %broadcast_in_dim3A_203 = vector.shape_cast %reduce_sum3A_202 : vector<64xf32> to vector<64x1xf32>
    %div3A_204 = arith.constant 1.280000e+02 : f32
    %div3A_205 = vector.broadcast %div3A_204 : f32 to vector<64x1xf32>
    %div3A_206 = arith.divf %broadcast_in_dim3A_203, %div3A_205 : vector<64x1xf32>
    %add3A_207 = arith.constant 9.99999974E-6 : f32
    %add3A_208 = vector.broadcast %add3A_207 : f32 to vector<64x1xf32>
    %add3A_209 = arith.addf %div3A_206, %add3A_208 : vector<64x1xf32>
    %rsqrt3A = math.rsqrt %add3A_209 : vector<64x1xf32>
    %mul3A_210 = vector.broadcast %rsqrt3A : vector<64x1xf32> to vector<64x128xf32>
    %mul3A_211 = arith.mulf %sub3A_199, %mul3A_210 : vector<64x128xf32>
    %get3A_212 = arith.constant 0 : index
    %get3A_213 = arith.constant 0 : index
    %get3A_214 = vector.load %arg19[%get3A_212, %get3A_213] : memref<1x128xf32, #tpu.memory_space<vmem>>, vector<1x128xf32>
    %mul3A_215 = vector.broadcast %get3A_214 : vector<1x128xf32> to vector<64x128xf32>
    %mul3A_216 = arith.mulf %mul3A_211, %mul3A_215 : vector<64x128xf32>
    %get3A_217 = arith.constant 0 : index
    %get3A_218 = arith.constant 0 : index
    %get3A_219 = vector.load %arg20[%get3A_217, %get3A_218] : memref<1x128xf32, #tpu.memory_space<vmem>>, vector<1x128xf32>
    %add3A_220 = vector.broadcast %get3A_219 : vector<1x128xf32> to vector<64x128xf32>
    %add3A_221 = arith.addf %mul3A_216, %add3A_220 : vector<64x128xf32>
    %swap3A = arith.constant 0 : index
    %swap3A_222 = arith.constant 0 : index
    %swap3A_223 = vector.load %arg21[%swap3A, %swap3A_222] : memref<64x128xf32, #tpu.memory_space<vmem>>, vector<64x128xf32>
    tpu.vector_store %arg21[%swap3A, %swap3A_222], %add3A_221 {strides = array<i32>} : memref<64x128xf32, #tpu.memory_space<vmem>>, vector<64x128xf32>,
    return
  }
  func.func @transform_0(%arg0: i32) -> (i32, i32) {
    %c0_i32 = arith.constant 0 : i32
    %c0_i32_0 = arith.constant 0 : i32
    return %arg0, %c0_i32 : i32, i32
  }
  func.func @transform_1(%arg0: i32) -> (i32, i32) {
    %c0_i32 = arith.constant 0 : i32
    %c0_i32_0 = arith.constant 0 : i32
    return %arg0, %c0_i32 : i32, i32
  }
  func.func @transform_2(%arg0: i32) -> (i32, i32) {
    %c0_i32 = arith.constant 0 : i32
    %c0_i32_0 = arith.constant 0 : i32
    return %arg0, %c0_i32 : i32, i32
  }
  func.func @transform_3(%arg0: i32) -> (i32, i32) {
    %c0_i32 = arith.constant 0 : i32
    %c0_i32_0 = arith.constant 0 : i32
    return %arg0, %c0_i32 : i32, i32
  }
  func.func @transform_4(%arg0: i32) -> (i32, i32) {
    %c0_i32 = arith.constant 0 : i32
    %c0_i32_0 = arith.constant 0 : i32
    return %arg0, %c0_i32 : i32, i32
  }
  func.func @transform_5(%arg0: i32) -> (i32, i32) {
    %c0_i32 = arith.constant 0 : i32
    %c0_i32_0 = arith.constant 0 : i32
    return %arg0, %c0_i32 : i32, i32
  }
  func.func @transform_6(%arg0: i32) -> (i32, i32) {
    %c0_i32 = arith.constant 0 : i32
    %c0_i32_0 = arith.constant 0 : i32
    %c0_i32_1 = arith.constant 0 : i32
    return %c0_i32, %c0_i32_0 : i32, i32
  }
  func.func @transform_7(%arg0: i32) -> (i32, i32) {
    %c0_i32 = arith.constant 0 : i32
    %c0_i32_0 = arith.constant 0 : i32
    %c0_i32_1 = arith.constant 0 : i32
    return %c0_i32, %c0_i32_0 : i32, i32
  }
  func.func @transform_8(%arg0: i32) -> (i32, i32) {
    %c0_i32 = arith.constant 0 : i32
    %c0_i32_0 = arith.constant 0 : i32
    %c0_i32_1 = arith.constant 0 : i32
    return %c0_i32, %c0_i32_0 : i32, i32
  }
  func.func @transform_9(%arg0: i32) -> (i32, i32) {
    %c0_i32 = arith.constant 0 : i32
    %c0_i32_0 = arith.constant 0 : i32
    %c0_i32_1 = arith.constant 0 : i32
    return %c0_i32, %c0_i32_0 : i32, i32
  }
  func.func @transform_10(%arg0: i32) -> (i32, i32) {
    %c0_i32 = arith.constant 0 : i32
    %c0_i32_0 = arith.constant 0 : i32
    %c0_i32_1 = arith.constant 0 : i32
    return %c0_i32, %c0_i32_0 : i32, i32
  }
  func.func @transform_11(%arg0: i32) -> (i32, i32) {
    %c0_i32 = arith.constant 0 : i32
    %c0_i32_0 = arith.constant 0 : i32
    %c0_i32_1 = arith.constant 0 : i32
    return %c0_i32, %c0_i32_0 : i32, i32
  }
  func.func @transform_12(%arg0: i32) -> (i32, i32) {
    %c0_i32 = arith.constant 0 : i32
    %c0_i32_0 = arith.constant 0 : i32
    %c0_i32_1 = arith.constant 0 : i32
    return %c0_i32, %c0_i32_0 : i32, i32
  }
  func.func @transform_13(%arg0: i32) -> (i32, i32) {
    %c0_i32 = arith.constant 0 : i32
    %c0_i32_0 = arith.constant 0 : i32
    %c0_i32_1 = arith.constant 0 : i32
    return %c0_i32, %c0_i32_0 : i32, i32
  }
  func.func @transform_14(%arg0: i32) -> (i32, i32) {
    %c0_i32 = arith.constant 0 : i32
    %c0_i32_0 = arith.constant 0 : i32
    %c0_i32_1 = arith.constant 0 : i32
    return %c0_i32, %c0_i32_0 : i32, i32
  }
  func.func @transform_15(%arg0: i32) -> (i32, i32) {
    %c0_i32 = arith.constant 0 : i32
    %c0_i32_0 = arith.constant 0 : i32
    %c0_i32_1 = arith.constant 0 : i32
    return %c0_i32, %c0_i32_0 : i32, i32
  }
  func.func @transform_16(%arg0: i32) -> (i32, i32) {
    %c0_i32 = arith.constant 0 : i32
    %c0_i32_0 = arith.constant 0 : i32
    %c0_i32_1 = arith.constant 0 : i32
    return %c0_i32, %c0_i32_0 : i32, i32
  }
  func.func @transform_17(%arg0: i32) -> (i32, i32) {
    %c0_i32 = arith.constant 0 : i32
    %c0_i32_0 = arith.constant 0 : i32
    %c0_i32_1 = arith.constant 0 : i32
    return %c0_i32, %c0_i32_0 : i32, i32
  }
  func.func @transform_18(%arg0: i32) -> (i32, i32) {
    %c0_i32 = arith.constant 0 : i32
    %c0_i32_0 = arith.constant 0 : i32
    %c0_i32_1 = arith.constant 0 : i32
    return %c0_i32, %c0_i32_0 : i32, i32
  }
  func.func @transform_19(%arg0: i32) -> (i32, i32) {
    %c0_i32 = arith.constant 0 : i32
    %c0_i32_0 = arith.constant 0 : i32
    %c0_i32_1 = arith.constant 0 : i32
    return %c0_i32, %c0_i32_0 : i32, i32
  }
  func.func @transform_20(%arg0: i32) -> (i32, i32) {
    %c0_i32 = arith.constant 0 : i32
    %c0_i32_0 = arith.constant 0 : i32
    return %arg0, %c0_i32 : i32, i32
  }
}

</mosaic_0001>

<sc_bundles>
// kernel: kernel.4.cloned.1.call-start
scs
__scs_entry_jumppad:
0x0: {  	(pc) =	sbr.rel $0x88, $3  }
0x1: {  	(tag) =	ssettag $0x0;
	lr =	simm.s32 $0x1  }
0x2: {  	[smem:$0x3F91] =	sst lr;
	_ =	strace $0xD0000000  }
0x3: {  	_ = 	snop  }
0x4: {  	_ = 	snop  }
0x5: {  	_ = 	snop  }
0x6: {  	_ = 	snop  }
0x7: {  	_ = 	snop  }
__scs_overlays_trampoline_lowered:
0x8: {  	[smem:$0x3FA0] =	sst s0  }
0x9: {  	[smem:$0x3FA1] =	sst s1  }
0xa: {  	[smem:$0x3FA2] =	sst s2  }
0xb: {  	[smem:$0x3FA3] =	sst s3  }
0xc: {  	[smem:$0x3FA4] =	sst s4  }
0xd: {  	[smem:$0x3FA5] =	sst s5  }
0xe: {  	[smem:$0x3FA6] =	sst s6  }
0xf: {  	[smem:$0x3FA7] =	sst s7  }
0x10: {  	[smem:$0x3FA8] =	sst s8  }
0x11: {  	[smem:$0x3FA9] =	sst s9;
	s0 =	simm.s32 @!p0 $0x0  }
0x12: {  	s1 =	sld [smem:$0x3F8F];
	s0 =	simm.s32 @p0 $0x1  }
0x13: {  	[smem:$0x3FAA] =	sst s0;
	s0 =	simm.s32 @!p1 $0x0  }
0x14: {  	s2 =	sld [smem:$0x3F8E];
	s0 =	simm.s32 @p1 $0x1  }
0x15: {  	[smem:$0x3FAB] =	sst s0;
	s0 =	simm.s32 @!p2 $0x0  }
0x16: {  	s3 =	sld [smem:$0x3FDB];
	s0 =	simm.s32 @p2 $0x1  }
0x17: {  	s4 =	simm.s32 $0x1BF5;
	[smem:$0x3FAD] =	sst s0  }
0x18: {  	s0 =	sld [smem:$0x3F90];
	_ =	swait.ge [sflag:s4], $0x0  }
0x19: {  	s7 =	sld [smem:$0x3F91]  }
0x1a: {  	s8 =	sadd.s32 $0xFFFFE003, lr  }
0x1b: {  	s9 =	sadd.s32 $0xFFFFFEF7, lr;
	s5 =	simm.s32 $0xFFFFFFFF;
	p2 =	slt.u32 s8, $0xFFFFF086  }
0x1c: {  	p1 =	slt.u32 s9, $0xF7A;
	s5 =	simm.s32 @!p2 $0x0  }
0x1d: {  	s5 =	simm.s32 @p1 $0x1;
	p0 =	seq.s32 s7, s2  }
0x1e: {  	s7 =	smul.u32 @!p0 $0xF7A, s2;
	p2 =	seq.s32 @!p0 s5, $0x0  }
0x1f: {  	s9 =	smul.u32 $0xF7A, s1;
	s8 =	simm.s32 @!p0 $0x1BF5;
	p2 =	por !p2, p0  }
0x20: {  	[sflag:s8] =	ssyncset.s32 @!p0 $0xFFFFF086;
	s6 =	sadd.s32 @!p0 s3, s7;
	s7 =	simm.s32 @!p0 $0x108  }
0x21: {  	s3 =	sadd.s32 s3, s9;
	s6 =	sadd.s32 @!p0 $0x88, s6;
	s7 =	simm.s32 @p2 $0x1082  }
0x22: {  	[simem:s7], [sflag:s8] =	dma.local @!p0 [hbm:s6], $0xF7A  }
0x23: {  	s9 =	sor.u32 $0xD0000000, s2;
	s6 =	simm.s32 $0x108;
	_ =	swait.ge @!p0 [sflag:s8], $0x0  }
0x24: {  	s3 =	sadd.s32 $0x88, s3;
	s6 =	simm.s32 @!p1 $0x1082;
	[sflag:s4] =	ssyncset.s32 $0xFFFFF086  }
0x25: {  	[simem:s6], [sflag:s4] =	dma.local [hbm:s3], $0xF7A  }
0x26: {  	[smem:$0x3F91] =	sst s1;
	(tag) =	ssettag s2;
	_ =	strace s9  }
0x27: {  	s1 =	sld [smem:$0x3FA1]  }
0x28: {  	s2 =	sld [smem:$0x3FA2]  }
0x29: {  	s4 =	sld [smem:$0x3FA4]  }
0x2a: {  	p0 =	seq.s32 s5, $0x0;
	s5 =	sld [smem:$0x3FA5]  }
0x2b: {  	s6 =	sld [smem:$0x3FA6]  }
0x2c: {  	s7 =	sld [smem:$0x3FA7]  }
0x2d: {  	s3 =	simm.s32 $0x108;
	s8 =	sld [smem:$0x3FA8]  }
0x2e: {  	s3 =	simm.s32 @!p0 $0x1082;
	s9 =	sld [smem:$0x3FA9]  }
0x2f: {  	lr =	sadd.s32 s0, s3;
	s0 =	sld [smem:$0x3FA0]  }
0x30: {  	s3 =	sld [smem:$0x3FA3]  }
0x31: {  	[smem:$0x3FAC] =	sst s10  }
0x32: {  	s10 =	sld [smem:$0x3FAA];
	_ =	sdelay $0x3  }
0x33: {  	p0 =	seq.s32 s10, $0x1;
	s10 =	sld [smem:$0x3FAC];
	_ =	sdelay $0x3  }
0x34: {  	[smem:$0x3FAC] =	sst s10  }
0x35: {  	s10 =	sld [smem:$0x3FAB];
	_ =	sdelay $0x3  }
0x36: {  	p1 =	seq.s32 s10, $0x1;
	s10 =	sld [smem:$0x3FAC];
	_ =	sdelay $0x3  }
0x37: {  	[smem:$0x3FAC] =	sst s10  }
0x38: {  	s10 =	sld [smem:$0x3FAD]  }
0x39: {  	_ = 	snop;
	(pc) =	sbr.ind lr, $3  }
0x3a: {  	_ = 	snop  }
0x3b: {  	_ = 	snop  }
0x3c: {  	p2 =	seq.s32 s10, $0x1;
	s10 =	sld [smem:$0x3FAC]  }
0x3d: {  	_ =	shalt  }
0x3e: {  	_ =	shalt  }
0x3f: {  	_ =	shalt  }
0x40: {  	_ =	shalt  }
0x41: {  	_ =	shalt  }
0x42: {  	_ =	shalt  }
0x43: {  	_ =	shalt  }
0x44: {  	_ =	shalt  }
0x45: {  	_ =	shalt  }
0x46: {  	_ =	shalt  }
0x47: {  	_ =	shalt  }
0x48: {  	_ =	shalt  }
0x49: {  	_ =	shalt  }
0x4a: {  	_ =	shalt  }
0x4b: {  	_ =	shalt  }
0x4c: {  	_ =	shalt  }
0x4d: {  	_ =	shalt  }
0x4e: {  	_ =	shalt  }
0x4f: {  	_ =	shalt  }
0x50: {  	_ =	shalt  }
0x51: {  	_ =	shalt  }
0x52: {  	_ =	shalt  }
0x53: {  	_ =	shalt  }
0x54: {  	_ =	shalt  }
0x55: {  	_ =	shalt  }
0x56: {  	_ =	shalt  }
0x57: {  	_ =	shalt  }
0x58: {  	_ =	shalt  }
0x59: {  	_ =	shalt  }
0x5a: {  	_ =	shalt  }
0x5b: {  	_ =	shalt  }
0x5c: {  	_ =	shalt  }
0x5d: {  	_ =	shalt  }
0x5e: {  	_ =	shalt  }
0x5f: {  	_ =	shalt  }
0x60: {  	_ =	shalt  }
0x61: {  	_ =	shalt  }
0x62: {  	_ =	shalt  }
0x63: {  	_ =	shalt  }
0x64: {  	_ =	shalt  }
0x65: {  	_ =	shalt  }
0x66: {  	_ =	shalt  }
0x67: {  	_ =	shalt  }
0x68: {  	_ =	shalt  }
0x69: {  	_ =	shalt  }
0x6a: {  	_ =	shalt  }
0x6b: {  	_ =	shalt  }
0x6c: {  	_ =	shalt  }
0x6d: {  	_ =	shalt  }
0x6e: {  	_ =	shalt  }
0x6f: {  	_ =	shalt  }
0x70: {  	_ =	shalt  }
0x71: {  	_ =	shalt  }
0x72: {  	_ =	shalt  }
0x73: {  	_ =	shalt  }
0x74: {  	_ =	shalt  }
0x75: {  	_ =	shalt  }
0x76: {  	_ =	shalt  }
0x77: {  	_ =	shalt  }
0x78: {  	_ =	shalt  }
0x79: {  	_ =	shalt  }
0x7a: {  	_ =	shalt  }
0x7b: {  	_ =	shalt  }
0x7c: {  	_ =	shalt  }
0x7d: {  	_ =	shalt  }
0x7e: {  	_ =	shalt  }
0x7f: {  	_ =	shalt  }
0x80: {  	_ =	shalt  }
0x81: {  	_ =	shalt  }
0x82: {  	_ =	shalt  }
0x83: {  	_ =	shalt  }
0x84: {  	_ =	shalt  }
0x85: {  	_ =	shalt  }
0x86: {  	_ =	shalt  }
0x87: {  	_ =	shalt  }
.Lfunc_end0:
.L_simem_size_0:
called_computation_lowered:
.L_overlay_start_0:
0x88: {  	s2 =	sld [smem:$0x3FD9]  }
0x89: {  	s3 =	sld [smem:$0x3FFE];
	_ =	sdelay $0x1  }
0x8a: {  	s1 =	srdreg.scid  }
0x8b: {  	s0 =	sand.u32 $0x1, s1  }
0x8c: {  	s17 =	sshll.u32 s0, $0xA;
	s2 =	sadd.s32 s3, s2  }
0x8d: {  	s2 =	sadd.s32 s2, s17  }
0x8e: {  	[smem:$0x3FB8] =	sst s2  }
0x8f: {  	_ = 	snop  }
0x90: {  	s2 =	sld [smem:$0x3FC6]  }
0x91: {  	s18 =	sld [smem:$0x3FD0];
	(tm) =	ssettm $0x1  }
0x92: {  	s4 =	sld [smem:$0x3FFB];
	_ =	sdelay $0x3  }
0x93: {  	_ =	strace s4  }
0x94: {  	s4 =	sld [smem:$0x3FFC];
	_ =	sdelay $0x3  }
0x95: {  	_ =	strace s4  }
0x96: {  	s4 =	sld [smem:$0x3FFD];
	_ =	sdelay $0x3  }
0x97: {  	_ =	strace s4  }
0x98: {  	_ =	strace $0x8FFFFFFF  }
0x99: {  	s19 =	sld [smem:$0x3FDB];
	_ =	sdelay $0x1  }
0x9a: {  	s5 =	simm.s32 $_scs_section_size  }
0x9b: {  	s6 =	simm.s32 $_size__tile_overlayer_lowered;
	s7 =	simm.s32 $_tile_overlayer_lowered  }
0x9c: {  	s22 =	simm.s32 $0x1BFF;
	s21 =	sshll.u32 s7, $0x1;
	s4 =	sadd.s32 s5, s19  }
0x9d: {  	s8 =	simm.s32 $0x0;
	s20 =	sshll.u32 s6, $0x1;
	s6 =	sadd.s32 s21, s4  }
0x9e: {  	[timem:s8], [sflag:s22] =	dma.local [hbm:s6], s20  }
0x9f: {  	_ =	swait.ge [sflag:s22], s20  }
0xa0: {  	s5 =	ssub.s32 $0x0, s20;
	[sflag:s22] =	ssyncset.done $0x0  }
0xa1: {  	[sflag:s22] =	ssyncadd.s32 s5;
	_ =	sdelay $0x1  }
0xa2: {  	s23 =	simm.s32 $0x1B8B  }
0xa3: {  	_ =	swait.ge [sflag:s23], $0x1  }
0xa4: {  	[sflag:s23] =	ssyncset.done $0x0  }
0xa5: {  	s25 =	simm.s32 $0x1B8E;
	s24 =	sld [smem:$0x3FFE];
	[sflag:s23] =	ssyncadd.s32 $0xFFFFFFFF  }
0xa6: {  	s26 =	simm.s32 $execute0_lowered;
	[smem:$0x3FD2] =	sst s25  }
0xa7: {  	s6 =	sshll.u32 s26, $0x1;
	_ =	strace $0x80000046;
	[dreg:$0x1] =	wrdreg $0xFFFFFFFF  }
0xa8: {  	s28 =	simm.s32 $_size_execute0_lowered;
	s4 =	sadd.s32 s4, s6;
	[dreg:$0x0] =	wrdreg $0x0  }
0xa9: {  	s6 =	sshll.u32 s28, $0x1;
	[dreg:$0x2] =	wrdreg s4  }
0xaa: {  	[dreg:$0x3] =	wrdreg s6  }
0xab: {  	[dreg:$0x4] =	wrdreg $0xC0  }
0xac: {  	_ =	task [dreg:s8], $0x5FFFF  }
0xad: {  	[dreg:$0x1] =	wrdreg $0xFFFFFFFF  }
0xae: {  	[dreg:$0x0] =	wrdreg $0x60  }
0xaf: {  	[dreg:$0x2] =	wrdreg s2  }
0xb0: {  	[dreg:$0x3] =	wrdreg s24  }
0xb1: {  	[dreg:$0x4] =	wrdreg s18  }
0xb2: {  	[dreg:$0x5] =	wrdreg $0x9  }
0xb3: {  	_ =	task.clear_ibuf [dreg:s8], $0x6FFFF;
	_ =	strace $0x90000046  }
0xb4: {  	s29 =	simm.s32 $0x9;
	_ =	strace $0x80000048  }
0xb5: {  	_ =	swait.ge [sflag:s29], $0x1  }
0xb6: {  	[sflag:s29] =	ssyncadd.s32 $0xFFFFFFFF  }
0xb7: {  	_ =	strace $0x90000048  }
0xb8: {  	_ =	sfence  }
0xb9: {  	s30 =	sld [smem:$0x0];
	_ =	sdelay $0x2  }
0xba: {  	s31 =	sshll.u32 s1, $0xD;
	s1 =	sshrl.u32 s1, $0x2  }
0xbb: {  	s3 =	sand.u32 $0x4000, s31;
	s1 =	sadd.s32 s1, s30  }
0xbc: {  	s0 =	sor.u32 s3, s0;
	s1 =	sshll.u32 s1, $0x11  }
0xbd: {  	s0 =	sor.u32 s1, s0  }
0xbe: {  	s0 =	sadd.s32 $0x8F2B, s0  }
0xbf: {  	[sflag:s0] =	ssyncadd.remote.s32 $0x1  }
0xc0: {  	_ =	sfence.sel $0xFFFF  }
0xc1: {  	[dreg:$0x0] =	wrdreg $0xFFFFFFFF;
	(pc) =	sbr.abs _section_cstart, $3  }
0xc2: {  	[dreg:$0x1] =	wrdreg $0xFFFFFFFF  }
0xc3: {  	_ =	task.clear_ibuf [dreg:s8], $0x2FFFF;
	_ =	strace $0x9FFFFFFF  }
0xc4: {  	(tm) =	ssettm $0x7FFFFFFF  }
0xc5: {  	_ =	shalt  }
tec
execute0_lowered:
.L_overlay_start_1:
0x0: {  	(tag) =	ssettag $0x1  }
0x1: {  	s1 =	rddreg [dreg:$0x0]  }
0x2: {  	s0 =	srdreg.scid;
	s2 =	rddreg [dreg:$0x1]  }
0x3: {  	s3 =	stileid.u32;
	s4 =	rddreg [dreg:$0x2];
	s28 =	simm.s32 $0x300  }
0x4: {  	s29 =	simm.s32 $0x10600;
	s0 =	sand.u32 $0x1, s0;
	s3 =	sshll.u32 s3, $0x1  }
0x5: {  	s30 =	simm.s32 $0x5;
	s31 =	simm.s32 $0x1;
	s5 =	sor.u32 s0, s3  }
0x6: {  	s8 =	sadd.s32 $0x4C00, s2;
	s10 =	sadd.s32 $0x64C00, s2;
	s6 =	smul.u32 $0x300, s5  }
0x7: {  	s3 =	simm.s32 $0x0;
	s0 =	ssub.s32 $0x2, s0;
	s9 =	smul.u32 $0x180, s5  }
0x8: {  	[smem:$0x7FF] =	sst s3;
	s11 =	sshrl.u32 s0, $0x1;
	s5 =	smul.u32 $0x3000, s5  }
0x9: {  	_ =	strace $0x80000047;
	s0 =	ssub.s32 s0, s11;
	s7 =	sshrl.u32 s6, $0x3  }
0xa: {  	s9 =	sadd.s32 s4, s9;
	s25 =	sor.u32 $0x80, s6;
	s26 =	sadd.s32 s8, s5  }
0xb: {  	s5 =	sadd.s32 s10, s5;
	s13 =	sadd.s32 $0x100, s6;
	[dreg:$0x4] =	wrdreg s9  }
0xc: {  	s17 =	sadd.s32 $0x180, s6;
	s21 =	sadd.s32 $0x200, s6;
	[dreg:$0x5] =	wrdreg s26  }
0xd: {  	s6 =	sadd.s32 $0x280, s6;
	[dreg:$0x6] =	wrdreg s5;
	s11 =	sshrl.u32 s25, $0x1  }
0xe: {  	s12 =	sshll.u32 s25, $0x4;
	s15 =	sshrl.u32 s13, $0x1;
	s16 =	sshll.u32 s13, $0x4  }
0xf: {  	s19 =	sshrl.u32 s17, $0x1;
	s20 =	sshll.u32 s17, $0x4;
	s23 =	sshrl.u32 s21, $0x1  }
0x10: {  	s24 =	sshrl.u32 s6, $0x1;
	s9 =	sshll.u32 s21, $0x4;
	s25 =	sshll.u32 s6, $0x4  }
0x11: {  	s26 =	sadd.s32 s7, s2;
	s6 =	simm.s32 $0x4600;
	s7 =	simm.s32 $0xC600  }
0x12: {  	s5 =	sadd.s32 s4, s11;
	s14 =	sadd.s32 s8, s12;
	s18 =	sadd.s32 s8, s16  }
0x13: {  	s22 =	sadd.s32 s8, s20;
	s17 =	sadd.s32 s4, s24;
	[dreg:$0x7] =	wrdreg s5  }
0x14: {  	s21 =	sadd.s32 s10, s25;
	s24 =	sadd.s32 $0x3400, s26;
	[dreg:$0x8] =	wrdreg s14  }
0x15: {  	s11 =	simm.s32 $0x0;
	s5 =	sadd.s32 s10, s12;
	[dreg:$0xb] =	wrdreg s18  }
0x16: {  	[dreg:$0xe] =	wrdreg s22;
	s18 =	sadd.s32 s8, s9;
	s22 =	sadd.s32 $0x483200, s2  }
0x17: {  	[dreg:$0x9] =	wrdreg s5;
	s5 =	sadd.s32 s4, s15;
	s15 =	sadd.s32 s10, s20  }
0x18: {  	s20 =	sadd.s32 s8, s25;
	s25 =	sadd.s32 $0x4000, s26;
	s26 =	smax.u32 s0, $0x1  }
0x19: {  	s0 =	simm.s32 $0x80;
	s8 =	simm.s32 $0x2;
	[dreg:$0xa] =	wrdreg s5  }
0x1a: {  	s5 =	sadd.s32 s10, s16;
	s16 =	sadd.s32 s4, s23;
	s23 =	sadd.s32 $0x3200, s2  }
0x1b: {  	s2 =	simm.s32 $0x3;
	[dreg:$0xc] =	wrdreg s5;
	s5 =	sadd.s32 s4, s19  }
0x1c: {  	v0 =	vlaneseq.u32;
	s19 =	sadd.s32 s10, s9;
	s4 =	simm.s32 $0x600;
	s9 =	simm.s32 $0x4  }
0x1d: {  	v1 =	vand.u32 $0x3, v0;
	s10 =	simm.s32 $0x11200;
	[dreg:$0xd] =	wrdreg s5;
	s5 =	simm.s32 $0x8600  }
.LBB2_1:
0x1e: {  	[tilespmem:s3], [sflag:$0x1] =	stream.linear.gather [hbm4b:s24+s3], $0x300, $0x38;
	[tilespmem:$0x11400] =	vst v63  }
0x1f: {  	_ = 	snop  }
0x20: {  	[tilespmem:s28], [sflag:$0x3] =	stream.linear.gather [hbm4b:s25+s3], $0x300, $0x38;
	[tilespmem:$0x11400] =	vst v63  }
0x21: {  	_ = 	snop  }
0x22: {  	[tilespmem:s29], [sflag:$0x5] =	stream.linear.gather [hbm4b:s23+s3], $0xC00, $0x38;
	[tilespmem:$0x11400] =	vst v63  }
0x23: {  	_ =	swait.ge [sflag:s30], $0xC00  }
0x24: {  	[sflag:s30] =	ssyncset.done $0x0  }
0x25: {  	[sflag:s30] =	ssyncadd.s32 $0xFFFFF400  }
0x26: {  	_ =	swait.ge [sflag:s31], $0x300  }
0x27: {  	[sflag:s31] =	ssyncset.done $0x0  }
0x28: {  	[sflag:s31] =	ssyncadd.s32 $0xFFFFFD00  }
0x29: {  	_ =	swait.ge [sflag:s2], $0x300  }
0x2a: {  	[sflag:s2] =	ssyncset.done $0x0  }
0x2b: {  	[sflag:s2] =	ssyncadd.s32 $0xFFFFFD00  }
0x2c: {  	[tilespmem:s4], [sflag:$0x1] =	stream.indirect.gather [hbm4b:s1+s0], $0x80, s3, s0, $0xb8;
	[tilespmem:$0x11400] =	vst v63  }
0x2d: {  	v2 =	vor.u32 s3, v0  }
0x2e: {  	v2 =	vshrl.u32 v2, $0x2;
	[tilespmem:s5], [sflag:$0x3] =	stream.indirect.gather [hbm4b:s22+s0], $0x80, s28, s0, $0xb8;
	[tilespmem:$0x11400] =	vst v63  }
0x2f: {  	_ = 	snop  }
0x30: {  	[tilespmem:s6], [sflag:$0x2] =	stream.indirect.gather [hbm4b:s1+s0], $0x80, s0, s0, $0xb8;
	[tilespmem:$0x11400] =	vst v63  }
0x31: {  	s12 =	simm.s32 $0x380  }
0x32: {  	[tilespmem:s7], [sflag:$0x4] =	stream.indirect.gather [hbm4b:s22+s0], $0x80, s12, s0, $0xb8;
	[tilespmem:$0x11400] =	vst v63  }
0x33: {  	v2 =	vld.idx.msk [tilespmem:v2+s3+$0x0], $0xffff;
	_ =	sdelay $0x4  }
0x34: {  	v2 =	vshll.u32 v2, $0x2  }
0x35: {  	v2 =	vor.u32 v1, v2;
	_ =	sdelay $0x3  }
0x36: {  	s13 =	simm.s32 $0x10  }
0x37: {  	v3 =	vor.u32 s13, v0;
	v2 =	vld.idx.msk [tilespmem:v2+s29+$0x0], $0xffff  }
0x38: {  	v3 =	vshrl.u32 v3, $0x2;
	_ =	sdelay $0x3  }
0x39: {  	[tilespmem:s10+$0x0] =	vst v2  }
0x3a: {  	v2 =	vld.idx.msk [tilespmem:v3+s3+$0x0], $0xffff;
	_ =	sdelay $0x4  }
0x3b: {  	v2 =	vshll.u32 v2, $0x2  }
0x3c: {  	v2 =	vor.u32 v1, v2;
	_ =	sdelay $0x3  }
0x3d: {  	s14 =	simm.s32 $0x20  }
0x3e: {  	s13 =	simm.s32 $0x30;
	s12 =	simm.s32 $0x11200;
	v3 =	vor.u32 s14, v0;
	v2 =	vld.idx.msk [tilespmem:v2+s29+$0x0], $0xffff  }
.LBB2_2:
0x3f: {  	p0 =	sne.s32 s13, $0x1F0;
	v3 =	vshrl.u32 v3, $0x2;
	_ =	sdelay $0x2  }
0x40: {  	s12 =	sadd.s32 $0x10, s12  }
0x41: {  	[tilespmem:s12+$0x0] =	vst v2  }
0x42: {  	v2 =	vld.idx.msk [tilespmem:v3+s3+$0x0], $0xffff;
	_ =	sdelay $0x5  }
0x43: {  	v2 =	vshll.u32 v2, $0x2  }
0x44: {  	v2 =	vor.u32 v1, v2;
	_ =	sdelay $0x1  }
.Ltmp0:
0x45: {  	(pc) =	sbr.rel @p0 .LBB2_2-.Ltmp0, $3  }
0x46: {  	_ =	sdelay $0x1  }
0x47: {  	v2 =	vld.idx.msk [tilespmem:v2+s29+$0x0], $0xffff  }
0x48: {  	v3 =	vor.u32 s13, v0;
	s13 =	sadd.s32 $0x10, s13  }
0x49: {  	v3 =	vshrl.u32 v3, $0x2;
	_ =	sdelay $0x2  }
0x4a: {  	s12 =	sadd.s32 $0x10, s12  }
0x4b: {  	[tilespmem:s12+$0x0] =	vst v2  }
0x4c: {  	v2 =	vld.idx.msk [tilespmem:v3+s3+$0x0], $0xffff;
	_ =	sdelay $0x4  }
0x4d: {  	v2 =	vshll.u32 v2, $0x2  }
0x4e: {  	v2 =	vor.u32 v1, v2;
	_ =	sdelay $0x4  }
0x4f: {  	v2 =	vld.idx.msk [tilespmem:v2+s29+$0x0], $0xffff;
	_ =	sdelay $0x3  }
0x50: {  	s12 =	sadd.s32 $0x10, s12  }
0x51: {  	s13 =	rddreg [dreg:$0x4];
	[tilespmem:s12+$0x0] =	vst v2;
	s12 =	simm.s32 $0x11200  }
0x52: {  	[hbm4b:s13+s3] =	stream.linear.scatter [tilespmem:s12], [sflag:$0x5], $0x200, $0x38;
	[tilespmem:$0x11400] =	vst v63  }
0x53: {  	_ =	swait.ge [sflag:s30], $0x200  }
0x54: {  	[sflag:s30] =	ssyncset.done $0x0  }
0x55: {  	[sflag:s30] =	ssyncadd.s32 $0xFFFFFE00  }
0x56: {  	_ =	swait.ge [sflag:s31], $0x4000  }
0x57: {  	[sflag:s31] =	ssyncset.done $0x0  }
0x58: {  	[sflag:s31] =	ssyncadd.s32 $0xFFFFC000  }
0x59: {  	_ =	swait.ge [sflag:s2], $0x4000  }
0x5a: {  	[sflag:s2] =	ssyncset.done $0x0  }
0x5b: {  	s14 =	rddreg [dreg:$0x5];
	[sflag:s2] =	ssyncadd.s32 $0xFFFFC000  }
0x5c: {  	[hbm4b:s14+s3] =	stream.linear.scatter [tilespmem:s4], [sflag:$0x5], $0x4000, $0x38;
	[tilespmem:$0x11400] =	vst v63  }
0x5d: {  	_ =	swait.ge [sflag:s30], $0x4000  }
0x5e: {  	[sflag:s30] =	ssyncset.done $0x0  }
0x5f: {  	s14 =	rddreg [dreg:$0x6];
	[sflag:s30] =	ssyncadd.s32 $0xFFFFC000  }
0x60: {  	[hbm4b:s14+s3] =	stream.linear.scatter [tilespmem:s5], [sflag:$0x5], $0x4000, $0x38;
	[tilespmem:$0x11400] =	vst v63  }
0x61: {  	s14 =	simm.s32 $0x200  }
0x62: {  	_ =	swait.ge [sflag:s30], $0x4000;
	v2 =	vor.u32 s14, v0  }
0x63: {  	[sflag:s30] =	ssyncset.done $0x0;
	v2 =	vshrl.u32 v2, $0x2  }
0x64: {  	s14 =	simm.s32 $0x100;
	[sflag:s30] =	ssyncadd.s32 $0xFFFFC000  }
0x65: {  	[tilespmem:s4], [sflag:$0x1] =	stream.indirect.gather [hbm4b:s1+s0], $0x80, s14, s0, $0xb8;
	[tilespmem:$0x11400] =	vst v63  }
0x66: {  	s14 =	simm.s32 $0x400  }
0x67: {  	[tilespmem:s5], [sflag:$0x3] =	stream.indirect.gather [hbm4b:s22+s0], $0x80, s14, s0, $0xb8;
	[tilespmem:$0x11400] =	vst v63  }
0x68: {  	v2 =	vld.idx.msk [tilespmem:v2+s3+$0x0], $0xffff;
	_ =	sdelay $0x4  }
0x69: {  	v2 =	vshll.u32 v2, $0x2  }
0x6a: {  	v2 =	vor.u32 v1, v2;
	_ =	sdelay $0x3  }
0x6b: {  	s14 =	simm.s32 $0x210  }
0x6c: {  	v3 =	vor.u32 s14, v0;
	v2 =	vld.idx.msk [tilespmem:v2+s29+$0x0], $0xffff  }
0x6d: {  	v3 =	vshrl.u32 v3, $0x2;
	_ =	sdelay $0x3  }
0x6e: {  	[tilespmem:s12+$0x0] =	vst v2  }
0x6f: {  	v2 =	vld.idx.msk [tilespmem:v3+s3+$0x0], $0xffff;
	_ =	sdelay $0x4  }
0x70: {  	v2 =	vshll.u32 v2, $0x2  }
0x71: {  	v2 =	vor.u32 v1, v2;
	_ =	sdelay $0x3  }
0x72: {  	s14 =	simm.s32 $0x220  }
0x73: {  	s13 =	simm.s32 $0x230;
	v3 =	vor.u32 s14, v0;
	v2 =	vld.idx.msk [tilespmem:v2+s29+$0x0], $0xffff  }
.LBB2_4:
0x74: {  	p0 =	sne.s32 s13, $0x3F0;
	v3 =	vshrl.u32 v3, $0x2;
	_ =	sdelay $0x2  }
0x75: {  	s12 =	sadd.s32 $0x10, s12  }
0x76: {  	[tilespmem:s12+$0x0] =	vst v2  }
0x77: {  	v2 =	vld.idx.msk [tilespmem:v3+s3+$0x0], $0xffff;
	_ =	sdelay $0x5  }
0x78: {  	v2 =	vshll.u32 v2, $0x2  }
0x79: {  	v2 =	vor.u32 v1, v2;
	_ =	sdelay $0x1  }
.Ltmp1:
0x7a: {  	(pc) =	sbr.rel @p0 .LBB2_4-.Ltmp1, $3  }
0x7b: {  	_ =	sdelay $0x1  }
0x7c: {  	v2 =	vld.idx.msk [tilespmem:v2+s29+$0x0], $0xffff  }
0x7d: {  	v3 =	vor.u32 s13, v0;
	s13 =	sadd.s32 $0x10, s13  }
0x7e: {  	v3 =	vshrl.u32 v3, $0x2;
	_ =	sdelay $0x2  }
0x7f: {  	s12 =	sadd.s32 $0x10, s12  }
0x80: {  	[tilespmem:s12+$0x0] =	vst v2  }
0x81: {  	v2 =	vld.idx.msk [tilespmem:v3+s3+$0x0], $0xffff;
	_ =	sdelay $0x4  }
0x82: {  	v2 =	vshll.u32 v2, $0x2  }
0x83: {  	v2 =	vor.u32 v1, v2;
	_ =	sdelay $0x4  }
0x84: {  	v2 =	vld.idx.msk [tilespmem:v2+s29+$0x0], $0xffff;
	_ =	sdelay $0x3  }
0x85: {  	s12 =	sadd.s32 $0x10, s12  }
0x86: {  	s13 =	rddreg [dreg:$0x7];
	[tilespmem:s12+$0x0] =	vst v2;
	s12 =	simm.s32 $0x11200  }
0x87: {  	[hbm4b:s13+s3] =	stream.linear.scatter [tilespmem:s12], [sflag:$0x5], $0x200, $0x38;
	[tilespmem:$0x11400] =	vst v63  }
0x88: {  	_ =	swait.ge [sflag:s30], $0x200  }
0x89: {  	[sflag:s30] =	ssyncset.done $0x0  }
0x8a: {  	[sflag:s30] =	ssyncadd.s32 $0xFFFFFE00  }
0x8b: {  	_ =	swait.ge [sflag:s8], $0x4000  }
0x8c: {  	[sflag:s8] =	ssyncset.done $0x0  }
0x8d: {  	[sflag:s8] =	ssyncadd.s32 $0xFFFFC000  }
0x8e: {  	_ =	swait.ge [sflag:s9], $0x4000  }
0x8f: {  	[sflag:s9] =	ssyncset.done $0x0  }
0x90: {  	s14 =	rddreg [dreg:$0x8];
	[sflag:s9] =	ssyncadd.s32 $0xFFFFC000  }
0x91: {  	[hbm4b:s14+s3] =	stream.linear.scatter [tilespmem:s6], [sflag:$0x5], $0x4000, $0x38;
	[tilespmem:$0x11400] =	vst v63  }
0x92: {  	_ =	swait.ge [sflag:s30], $0x4000  }
0x93: {  	[sflag:s30] =	ssyncset.done $0x0  }
0x94: {  	s14 =	rddreg [dreg:$0x9];
	[sflag:s30] =	ssyncadd.s32 $0xFFFFC000  }
0x95: {  	[hbm4b:s14+s3] =	stream.linear.scatter [tilespmem:s7], [sflag:$0x5], $0x4000, $0x38;
	[tilespmem:$0x11400] =	vst v63  }
0x96: {  	s14 =	simm.s32 $0x400  }
0x97: {  	_ =	swait.ge [sflag:s30], $0x4000;
	v2 =	vor.u32 s14, v0  }
0x98: {  	[sflag:s30] =	ssyncset.done $0x0;
	v2 =	vshrl.u32 v2, $0x2  }
0x99: {  	s14 =	simm.s32 $0x180;
	[sflag:s30] =	ssyncadd.s32 $0xFFFFC000  }
0x9a: {  	[tilespmem:s6], [sflag:$0x2] =	stream.indirect.gather [hbm4b:s1+s0], $0x80, s14, s0, $0xb8;
	[tilespmem:$0x11400] =	vst v63  }
0x9b: {  	s14 =	simm.s32 $0x480  }
0x9c: {  	[tilespmem:s7], [sflag:$0x4] =	stream.indirect.gather [hbm4b:s22+s0], $0x80, s14, s0, $0xb8;
	[tilespmem:$0x11400] =	vst v63  }
0x9d: {  	v2 =	vld.idx.msk [tilespmem:v2+s3+$0x0], $0xffff;
	_ =	sdelay $0x4  }
0x9e: {  	v2 =	vshll.u32 v2, $0x2  }
0x9f: {  	v2 =	vor.u32 v1, v2;
	_ =	sdelay $0x3  }
0xa0: {  	s14 =	simm.s32 $0x410  }
0xa1: {  	v3 =	vor.u32 s14, v0;
	v2 =	vld.idx.msk [tilespmem:v2+s29+$0x0], $0xffff  }
0xa2: {  	v3 =	vshrl.u32 v3, $0x2;
	_ =	sdelay $0x3  }
0xa3: {  	[tilespmem:s12+$0x0] =	vst v2  }
0xa4: {  	v2 =	vld.idx.msk [tilespmem:v3+s3+$0x0], $0xffff;
	_ =	sdelay $0x4  }
0xa5: {  	v2 =	vshll.u32 v2, $0x2  }
0xa6: {  	v2 =	vor.u32 v1, v2;
	_ =	sdelay $0x3  }
0xa7: {  	s14 =	simm.s32 $0x420  }
0xa8: {  	s13 =	simm.s32 $0x430;
	v3 =	vor.u32 s14, v0;
	v2 =	vld.idx.msk [tilespmem:v2+s29+$0x0], $0xffff  }
.LBB2_6:
0xa9: {  	p0 =	sne.s32 s13, $0x5F0;
	v3 =	vshrl.u32 v3, $0x2;
	_ =	sdelay $0x2  }
0xaa: {  	s12 =	sadd.s32 $0x10, s12  }
0xab: {  	[tilespmem:s12+$0x0] =	vst v2  }
0xac: {  	v2 =	vld.idx.msk [tilespmem:v3+s3+$0x0], $0xffff;
	_ =	sdelay $0x5  }
0xad: {  	v2 =	vshll.u32 v2, $0x2  }
0xae: {  	v2 =	vor.u32 v1, v2;
	_ =	sdelay $0x1  }
.Ltmp2:
0xaf: {  	(pc) =	sbr.rel @p0 .LBB2_6-.Ltmp2, $3  }
0xb0: {  	_ =	sdelay $0x1  }
0xb1: {  	v2 =	vld.idx.msk [tilespmem:v2+s29+$0x0], $0xffff  }
0xb2: {  	v3 =	vor.u32 s13, v0;
	s13 =	sadd.s32 $0x10, s13  }
0xb3: {  	v3 =	vshrl.u32 v3, $0x2;
	_ =	sdelay $0x2  }
0xb4: {  	s12 =	sadd.s32 $0x10, s12  }
0xb5: {  	[tilespmem:s12+$0x0] =	vst v2  }
0xb6: {  	v2 =	vld.idx.msk [tilespmem:v3+s3+$0x0], $0xffff;
	_ =	sdelay $0x4  }
0xb7: {  	v2 =	vshll.u32 v2, $0x2  }
0xb8: {  	v2 =	vor.u32 v1, v2;
	_ =	sdelay $0x4  }
0xb9: {  	v2 =	vld.idx.msk [tilespmem:v2+s29+$0x0], $0xffff;
	_ =	sdelay $0x3  }
0xba: {  	s12 =	sadd.s32 $0x10, s12  }
0xbb: {  	s13 =	rddreg [dreg:$0xa];
	[tilespmem:s12+$0x0] =	vst v2;
	s12 =	simm.s32 $0x11200  }
0xbc: {  	[hbm4b:s13+s3] =	stream.linear.scatter [tilespmem:s12], [sflag:$0x5], $0x200, $0x38;
	[tilespmem:$0x11400] =	vst v63  }
0xbd: {  	_ =	swait.ge [sflag:s30], $0x200  }
0xbe: {  	[sflag:s30] =	ssyncset.done $0x0  }
0xbf: {  	[sflag:s30] =	ssyncadd.s32 $0xFFFFFE00  }
0xc0: {  	_ =	swait.ge [sflag:s31], $0x4000  }
0xc1: {  	[sflag:s31] =	ssyncset.done $0x0  }
0xc2: {  	[sflag:s31] =	ssyncadd.s32 $0xFFFFC000  }
0xc3: {  	_ =	swait.ge [sflag:s2], $0x4000  }
0xc4: {  	[sflag:s2] =	ssyncset.done $0x0  }
0xc5: {  	s13 =	simm.s32 $0x600;
	s14 =	rddreg [dreg:$0xb];
	[sflag:s2] =	ssyncadd.s32 $0xFFFFC000  }
0xc6: {  	[hbm4b:s14+s3] =	stream.linear.scatter [tilespmem:s13], [sflag:$0x5], $0x4000, $0x38;
	[tilespmem:$0x11400] =	vst v63  }
0xc7: {  	_ =	swait.ge [sflag:s30], $0x4000  }
0xc8: {  	[sflag:s30] =	ssyncset.done $0x0  }
0xc9: {  	s14 =	rddreg [dreg:$0xc];
	[sflag:s30] =	ssyncadd.s32 $0xFFFFC000  }
0xca: {  	[hbm4b:s14+s3] =	stream.linear.scatter [tilespmem:s5], [sflag:$0x5], $0x4000, $0x38;
	[tilespmem:$0x11400] =	vst v63  }
0xcb: {  	v2 =	vor.u32 s13, v0;
	_ =	swait.ge [sflag:s30], $0x4000  }
0xcc: {  	v2 =	vshrl.u32 v2, $0x2;
	[sflag:s30] =	ssyncset.done $0x0  }
0xcd: {  	s14 =	simm.s32 $0x200;
	[sflag:s30] =	ssyncadd.s32 $0xFFFFC000  }
0xce: {  	[tilespmem:s13], [sflag:$0x1] =	stream.indirect.gather [hbm4b:s1+s0], $0x80, s14, s0, $0xb8;
	[tilespmem:$0x11400] =	vst v63  }
0xcf: {  	s14 =	simm.s32 $0x500  }
0xd0: {  	[tilespmem:s5], [sflag:$0x3] =	stream.indirect.gather [hbm4b:s22+s0], $0x80, s14, s0, $0xb8;
	[tilespmem:$0x11400] =	vst v63  }
0xd1: {  	v2 =	vld.idx.msk [tilespmem:v2+s3+$0x0], $0xffff;
	_ =	sdelay $0x4  }
0xd2: {  	v2 =	vshll.u32 v2, $0x2  }
0xd3: {  	v2 =	vor.u32 v1, v2;
	_ =	sdelay $0x3  }
0xd4: {  	s14 =	simm.s32 $0x610  }
0xd5: {  	v3 =	vor.u32 s14, v0;
	v2 =	vld.idx.msk [tilespmem:v2+s29+$0x0], $0xffff  }
0xd6: {  	v3 =	vshrl.u32 v3, $0x2;
	_ =	sdelay $0x3  }
0xd7: {  	[tilespmem:s12+$0x0] =	vst v2  }
0xd8: {  	v2 =	vld.idx.msk [tilespmem:v3+s3+$0x0], $0xffff;
	_ =	sdelay $0x4  }
0xd9: {  	v2 =	vshll.u32 v2, $0x2  }
0xda: {  	v2 =	vor.u32 v1, v2;
	_ =	sdelay $0x3  }
0xdb: {  	s14 =	simm.s32 $0x620  }
0xdc: {  	s13 =	simm.s32 $0x630;
	v3 =	vor.u32 s14, v0;
	v2 =	vld.idx.msk [tilespmem:v2+s29+$0x0], $0xffff  }
.LBB2_8:
0xdd: {  	p0 =	sne.s32 s13, $0x7F0;
	v3 =	vshrl.u32 v3, $0x2;
	_ =	sdelay $0x2  }
0xde: {  	s12 =	sadd.s32 $0x10, s12  }
0xdf: {  	[tilespmem:s12+$0x0] =	vst v2  }
0xe0: {  	v2 =	vld.idx.msk [tilespmem:v3+s3+$0x0], $0xffff;
	_ =	sdelay $0x5  }
0xe1: {  	v2 =	vshll.u32 v2, $0x2  }
0xe2: {  	v2 =	vor.u32 v1, v2;
	_ =	sdelay $0x1  }
.Ltmp3:
0xe3: {  	(pc) =	sbr.rel @p0 .LBB2_8-.Ltmp3, $3  }
0xe4: {  	_ =	sdelay $0x1  }
0xe5: {  	v2 =	vld.idx.msk [tilespmem:v2+s29+$0x0], $0xffff  }
0xe6: {  	v3 =	vor.u32 s13, v0;
	s13 =	sadd.s32 $0x10, s13  }
0xe7: {  	v3 =	vshrl.u32 v3, $0x2;
	_ =	sdelay $0x2  }
0xe8: {  	s12 =	sadd.s32 $0x10, s12  }
0xe9: {  	[tilespmem:s12+$0x0] =	vst v2  }
0xea: {  	v2 =	vld.idx.msk [tilespmem:v3+s3+$0x0], $0xffff;
	_ =	sdelay $0x4  }
0xeb: {  	v2 =	vshll.u32 v2, $0x2  }
0xec: {  	v2 =	vor.u32 v1, v2;
	_ =	sdelay $0x4  }
0xed: {  	v2 =	vld.idx.msk [tilespmem:v2+s29+$0x0], $0xffff;
	_ =	sdelay $0x3  }
0xee: {  	s12 =	sadd.s32 $0x10, s12  }
0xef: {  	s13 =	rddreg [dreg:$0xd];
	[tilespmem:s12+$0x0] =	vst v2;
	s12 =	simm.s32 $0x11200  }
0xf0: {  	[hbm4b:s13+s3] =	stream.linear.scatter [tilespmem:s12], [sflag:$0x5], $0x200, $0x38;
	[tilespmem:$0x11400] =	vst v63  }
0xf1: {  	_ =	swait.ge [sflag:s30], $0x200  }
0xf2: {  	[sflag:s30] =	ssyncset.done $0x0  }
0xf3: {  	[sflag:s30] =	ssyncadd.s32 $0xFFFFFE00  }
0xf4: {  	_ =	swait.ge [sflag:s8], $0x4000  }
0xf5: {  	[sflag:s8] =	ssyncset.done $0x0  }
0xf6: {  	[sflag:s8] =	ssyncadd.s32 $0xFFFFC000  }
0xf7: {  	_ =	swait.ge [sflag:s9], $0x4000  }
0xf8: {  	[sflag:s9] =	ssyncset.done $0x0  }
0xf9: {  	s14 =	rddreg [dreg:$0xe];
	[sflag:s9] =	ssyncadd.s32 $0xFFFFC000  }
0xfa: {  	[hbm4b:s14+s3] =	stream.linear.scatter [tilespmem:s6], [sflag:$0x5], $0x4000, $0x38;
	[tilespmem:$0x11400] =	vst v63  }
0xfb: {  	_ =	swait.ge [sflag:s30], $0x4000  }
0xfc: {  	[sflag:s30] =	ssyncset.done $0x0  }
0xfd: {  	s14 =	simm.s32 $0x800;
	[sflag:s30] =	ssyncadd.s32 $0xFFFFC000  }
0xfe: {  	[hbm4b:s15+s3] =	stream.linear.scatter [tilespmem:s7], [sflag:$0x5], $0x4000, $0x38;
	[tilespmem:$0x11400] =	vst v63  }
0xff: {  	v2 =	vor.u32 s14, v0;
	_ =	swait.ge [sflag:s30], $0x4000  }
0x100: {  	v2 =	vshrl.u32 v2, $0x2;
	[sflag:s30] =	ssyncset.done $0x0  }
0x101: {  	s14 =	simm.s32 $0x280;
	[sflag:s30] =	ssyncadd.s32 $0xFFFFC000  }
0x102: {  	[tilespmem:s6], [sflag:$0x2] =	stream.indirect.gather [hbm4b:s1+s0], $0x80, s14, s0, $0xb8;
	[tilespmem:$0x11400] =	vst v63  }
0x103: {  	s14 =	simm.s32 $0x580  }
0x104: {  	[tilespmem:s7], [sflag:$0x4] =	stream.indirect.gather [hbm4b:s22+s0], $0x80, s14, s0, $0xb8;
	[tilespmem:$0x11400] =	vst v63  }
0x105: {  	v2 =	vld.idx.msk [tilespmem:v2+s3+$0x0], $0xffff;
	_ =	sdelay $0x4  }
0x106: {  	v2 =	vshll.u32 v2, $0x2  }
0x107: {  	v2 =	vor.u32 v1, v2;
	_ =	sdelay $0x3  }
0x108: {  	s14 =	simm.s32 $0x810  }
0x109: {  	v3 =	vor.u32 s14, v0;
	v2 =	vld.idx.msk [tilespmem:v2+s29+$0x0], $0xffff  }
0x10a: {  	v3 =	vshrl.u32 v3, $0x2;
	_ =	sdelay $0x3  }
0x10b: {  	[tilespmem:s12+$0x0] =	vst v2  }
0x10c: {  	v2 =	vld.idx.msk [tilespmem:v3+s3+$0x0], $0xffff;
	_ =	sdelay $0x4  }
0x10d: {  	v2 =	vshll.u32 v2, $0x2  }
0x10e: {  	v2 =	vor.u32 v1, v2;
	_ =	sdelay $0x3  }
0x10f: {  	s14 =	simm.s32 $0x820  }
0x110: {  	s13 =	simm.s32 $0x830;
	v3 =	vor.u32 s14, v0;
	v2 =	vld.idx.msk [tilespmem:v2+s29+$0x0], $0xffff  }
.LBB2_10:
0x111: {  	p0 =	sne.s32 s13, $0x9F0;
	v3 =	vshrl.u32 v3, $0x2;
	_ =	sdelay $0x2  }
0x112: {  	s12 =	sadd.s32 $0x10, s12  }
0x113: {  	[tilespmem:s12+$0x0] =	vst v2  }
0x114: {  	v2 =	vld.idx.msk [tilespmem:v3+s3+$0x0], $0xffff;
	_ =	sdelay $0x5  }
0x115: {  	v2 =	vshll.u32 v2, $0x2  }
0x116: {  	v2 =	vor.u32 v1, v2;
	_ =	sdelay $0x1  }
.Ltmp4:
0x117: {  	(pc) =	sbr.rel @p0 .LBB2_10-.Ltmp4, $3  }
0x118: {  	_ =	sdelay $0x1  }
0x119: {  	v2 =	vld.idx.msk [tilespmem:v2+s29+$0x0], $0xffff  }
0x11a: {  	v3 =	vor.u32 s13, v0;
	s13 =	sadd.s32 $0x10, s13  }
0x11b: {  	v3 =	vshrl.u32 v3, $0x2;
	_ =	sdelay $0x2  }
0x11c: {  	s12 =	sadd.s32 $0x10, s12  }
0x11d: {  	[tilespmem:s12+$0x0] =	vst v2  }
0x11e: {  	v2 =	vld.idx.msk [tilespmem:v3+s3+$0x0], $0xffff;
	_ =	sdelay $0x4  }
0x11f: {  	v2 =	vshll.u32 v2, $0x2  }
0x120: {  	v2 =	vor.u32 v1, v2;
	_ =	sdelay $0x4  }
0x121: {  	v2 =	vld.idx.msk [tilespmem:v2+s29+$0x0], $0xffff;
	_ =	sdelay $0x3  }
0x122: {  	s12 =	sadd.s32 $0x10, s12  }
0x123: {  	[tilespmem:s12+$0x0] =	vst v2;
	s12 =	simm.s32 $0x11200  }
0x124: {  	[hbm4b:s16+s3] =	stream.linear.scatter [tilespmem:s12], [sflag:$0x5], $0x200, $0x38;
	[tilespmem:$0x11400] =	vst v63  }
0x125: {  	_ =	swait.ge [sflag:s30], $0x200  }
0x126: {  	[sflag:s30] =	ssyncset.done $0x0  }
0x127: {  	[sflag:s30] =	ssyncadd.s32 $0xFFFFFE00  }
0x128: {  	_ =	swait.ge [sflag:s31], $0x4000  }
0x129: {  	[sflag:s31] =	ssyncset.done $0x0  }
0x12a: {  	[sflag:s31] =	ssyncadd.s32 $0xFFFFC000  }
0x12b: {  	_ =	swait.ge [sflag:s2], $0x4000  }
0x12c: {  	[sflag:s2] =	ssyncset.done $0x0  }
0x12d: {  	[sflag:s2] =	ssyncadd.s32 $0xFFFFC000  }
0x12e: {  	[hbm4b:s18+s3] =	stream.linear.scatter [tilespmem:s4], [sflag:$0x5], $0x4000, $0x38;
	[tilespmem:$0x11400] =	vst v63  }
0x12f: {  	s13 =	simm.s32 $0xA00;
	_ =	swait.ge [sflag:s30], $0x4000  }
0x130: {  	v2 =	vor.u32 s13, v0;
	[sflag:s30] =	ssyncset.done $0x0  }
0x131: {  	v2 =	vshrl.u32 v2, $0x2;
	[sflag:s30] =	ssyncadd.s32 $0xFFFFC000  }
0x132: {  	[hbm4b:s19+s3] =	stream.linear.scatter [tilespmem:s5], [sflag:$0x5], $0x4000, $0x38;
	[tilespmem:$0x11400] =	vst v63  }
0x133: {  	_ =	swait.ge [sflag:s30], $0x4000  }
0x134: {  	[sflag:s30] =	ssyncset.done $0x0  }
0x135: {  	[sflag:s30] =	ssyncadd.s32 $0xFFFFC000  }
0x136: {  	v2 =	vld.idx.msk [tilespmem:v2+s3+$0x0], $0xffff;
	_ =	sdelay $0x4  }
0x137: {  	v2 =	vshll.u32 v2, $0x2  }
0x138: {  	v2 =	vor.u32 v1, v2;
	_ =	sdelay $0x3  }
0x139: {  	s14 =	simm.s32 $0xA10  }
0x13a: {  	v3 =	vor.u32 s14, v0;
	v2 =	vld.idx.msk [tilespmem:v2+s29+$0x0], $0xffff  }
0x13b: {  	v3 =	vshrl.u32 v3, $0x2;
	_ =	sdelay $0x3  }
0x13c: {  	[tilespmem:s12+$0x0] =	vst v2  }
0x13d: {  	v2 =	vld.idx.msk [tilespmem:v3+s3+$0x0], $0xffff;
	_ =	sdelay $0x4  }
0x13e: {  	v2 =	vshll.u32 v2, $0x2  }
0x13f: {  	v2 =	vor.u32 v1, v2;
	_ =	sdelay $0x3  }
0x140: {  	s14 =	simm.s32 $0xA20  }
0x141: {  	s13 =	simm.s32 $0xA30;
	v3 =	vor.u32 s14, v0;
	v2 =	vld.idx.msk [tilespmem:v2+s29+$0x0], $0xffff  }
.LBB2_12:
0x142: {  	p0 =	sne.s32 s13, $0xBF0;
	v3 =	vshrl.u32 v3, $0x2;
	_ =	sdelay $0x2  }
0x143: {  	s12 =	sadd.s32 $0x10, s12  }
0x144: {  	[tilespmem:s12+$0x0] =	vst v2  }
0x145: {  	v2 =	vld.idx.msk [tilespmem:v3+s3+$0x0], $0xffff;
	_ =	sdelay $0x5  }
0x146: {  	v2 =	vshll.u32 v2, $0x2  }
0x147: {  	v2 =	vor.u32 v1, v2;
	_ =	sdelay $0x1  }
.Ltmp5:
0x148: {  	(pc) =	sbr.rel @p0 .LBB2_12-.Ltmp5, $3  }
0x149: {  	_ =	sdelay $0x1  }
0x14a: {  	v2 =	vld.idx.msk [tilespmem:v2+s29+$0x0], $0xffff  }
0x14b: {  	v3 =	vor.u32 s13, v0;
	s13 =	sadd.s32 $0x10, s13  }
0x14c: {  	v3 =	vshrl.u32 v3, $0x2;
	_ =	sdelay $0x2  }
0x14d: {  	s12 =	sadd.s32 $0x10, s12  }
0x14e: {  	[tilespmem:s12+$0x0] =	vst v2  }
0x14f: {  	v2 =	vld.idx.msk [tilespmem:v3+s3+$0x0], $0xffff;
	_ =	sdelay $0x4  }
0x150: {  	v2 =	vshll.u32 v2, $0x2  }
0x151: {  	v2 =	vor.u32 v1, v2;
	_ =	sdelay $0x4  }
0x152: {  	v2 =	vld.idx.msk [tilespmem:v2+s29+$0x0], $0xffff;
	_ =	sdelay $0x3  }
0x153: {  	s12 =	sadd.s32 $0x10, s12  }
0x154: {  	[tilespmem:s12+$0x0] =	vst v2  }
0x155: {  	[hbm4b:s17+s3] =	stream.linear.scatter [tilespmem:s10], [sflag:$0x5], $0x200, $0x38;
	[tilespmem:$0x11400] =	vst v63  }
0x156: {  	_ =	swait.ge [sflag:s30], $0x200  }
0x157: {  	[sflag:s30] =	ssyncset.done $0x0  }
0x158: {  	[sflag:s30] =	ssyncadd.s32 $0xFFFFFE00  }
0x159: {  	_ =	swait.ge [sflag:s8], $0x4000  }
0x15a: {  	[sflag:s8] =	ssyncset.done $0x0  }
0x15b: {  	[sflag:s8] =	ssyncadd.s32 $0xFFFFC000  }
0x15c: {  	_ =	swait.ge [sflag:s9], $0x4000  }
0x15d: {  	[sflag:s9] =	ssyncset.done $0x0  }
0x15e: {  	[sflag:s9] =	ssyncadd.s32 $0xFFFFC000  }
0x15f: {  	[hbm4b:s20+s3] =	stream.linear.scatter [tilespmem:s6], [sflag:$0x5], $0x4000, $0x38;
	[tilespmem:$0x11400] =	vst v63  }
0x160: {  	s11 =	sadd.s32 $0x1, s11;
	_ =	swait.ge [sflag:s30], $0x4000  }
0x161: {  	p0 =	sne.s32 s11, s26;
	[sflag:s30] =	ssyncset.done $0x0  }
.Ltmp6:
0x162: {  	[sflag:s30] =	ssyncadd.s32 $0xFFFFC000;
	(pc) =	sbr.rel @p0 .LBB2_1-.Ltmp6, $4  }
0x163: {  	[hbm4b:s21+s3] =	stream.linear.scatter [tilespmem:s7], [sflag:$0x5], $0x4000, $0x38;
	[tilespmem:$0x11400] =	vst v63  }
0x164: {  	_ =	swait.ge [sflag:s30], $0x4000  }
0x165: {  	[sflag:s30] =	ssyncset.done $0x0  }
0x166: {  	[sflag:s30] =	ssyncadd.s32 $0xFFFFC000  }
0x167: {  	_ =	sfence.sel $0x180000  }
0x168: {  	[bflag:$0x0] =	sbarrier.arrive $0xFFFF  }
0x169: {  	_ =	strace $0x90000047  }
0x16a: {  	s0 =	stileid.u32;
	[bflag:$0x2] =	sbarrier.arrive $0xFFFF  }
0x16b: {  	p0 =	sne.s32 s0, $0x0;
	s0 =	rddreg [dreg:$0x3]  }
0x16c: {  	s0 =	sadd.s32 @!p0 $0x100000, s0  }
0x16d: {  	[sflag:s0] =	ssyncadd.tile.s32 @!p0 $0x1;
	_ =	shalt  }
.Lfunc_end2:
_tile_overlayer_lowered:
.L_overlay_start_2:
0x16e: {  	(tag) =	ssettag $0x2  }
0x16f: {  	s0 =	rddreg [dreg:$0x0];
	s2 =	stileid.u32  }
0x170: {  	s1 =	rddreg [dreg:$0x1];
	p0 =	sne.s32 s2, $0x0  }
0x171: {  	s3 =	rddreg [dreg:$0x2];
	[bflag:$0x3] =	sbarrier.arrive $0xFFFF;
	s2 =	simm.s32 @!p0 $0x1C05  }
0x172: {  	[timem:s3], [sflag:s2] =	dma.local @!p0 [hbm:s0], s1  }
0x173: {  	s0 =	simm.s32 @!p0 $0x5  }
0x174: {  	_ =	swait.ge @!p0 [sflag:s0], s1  }
0x175: {  	s1 =	ssub.s32 @!p0 $0x0, s1;
	[sflag:s0] =	ssyncset.done @!p0 $0x0  }
0x176: {  	[sflag:s0] =	ssyncadd.s32 @!p0 s1  }
0x177: {  	[bflag:$0x3] =	sbarrier.arrive $0xFFFF  }
0x178: {  	_ =	shalt  }

</sc_bundles>
